<compile_context>
chip_gen: v7x
topology: tpu7x:2x2x1
jax: 0.10.2.dev20260603
libtpu: 0.0.44.dev20260713+nightly
codegen_flags: <defaults>
</compile_context>

<pallas_src>
import functools

import jax
import jax.numpy as jnp
import numpy as np
from jax import lax
from jax.experimental import pallas as pl
from jax.experimental.pallas import tpu as pltpu
from jax.experimental.pallas import tpu_sc as plsc

_B = 1024
_NBITS = 22
_NCODES = 23
_LTAB = 131072
_ROWW = 384
_NWORK = 32
_SPW = _B // _NWORK


def _jmap_word(wi):
    g, w = wi // 4, wi % 4
    return g if (g < 7 and w < 2) else g + 7


def _bit_weights():
    wmat = np.zeros((512, _NCODES), np.float32)
    for j in range(_NCODES):
        for i in range(_NBITS):
            wmat[6 + _NBITS * j + i, j] = float(1 << i)
    return jnp.asarray(wmat)


def _sign_expand():
    emat = np.zeros((_NCODES, 128), np.float32)
    for k in range(128):
        emat[_jmap_word(k // 2), k] = 1.0
    return jnp.asarray(emat)


def _decode_body(x_ref, w_ref, e_ref, codes_ref, sgn_ref):
    xf = x_ref[...].astype(jnp.float32)
    vals = jnp.dot(xf, w_ref[...], preferred_element_type=jnp.float32)
    codes_ref[...] = vals.astype(jnp.int32) & (_LTAB - 1)
    sgnv = jnp.where(vals > jnp.float32(_LTAB), -1.0, 1.0).astype(jnp.float32)
    sgn_ref[...] = jnp.dot(sgnv, e_ref[...], preferred_element_type=jnp.float32)


def _decode(x):
    return pl.pallas_call(
        _decode_body,
        out_shape=(
            jax.ShapeDtypeStruct((_B, _NCODES), jnp.int32),
            jax.ShapeDtypeStruct((_B, 128), jnp.float32),
        ),
    )(x, _bit_weights(), _sign_expand())


def _perm_table():
    tab = np.zeros((8, 16), np.int32)
    for q in range(4):
        ws = [q * 16 + ll for ll in range(16)]
        tab[q] = [_jmap_word(W) for W in ws]
        tab[4 + q] = [W % 4 for W in ws]
    return jnp.asarray(tab)


def _sc_gather_body(
    codes_hbm, dataw_hbm, perm_hbm, out_hbm, idx_v, perm_v, rows_v, asm_v, sem
):
    cid = lax.axis_index("c")
    sid = lax.axis_index("s")
    wid = sid * 2 + cid
    base = wid * _SPW
    pltpu.sync_copy(codes_hbm.at[pl.ds(base, _SPW)], idx_v)
    pltpu.sync_copy(perm_hbm, perm_v)

    def sample_body(i, carry):
        cp = pltpu.make_async_copy(dataw_hbm.at[idx_v.at[i]], rows_v, sem)
        cp.start()
        cp.wait()

        def t_body(tt, c2):
            t4 = tt * 32
            for k in range(8):
                for q in range(4):
                    vals = plsc.load_gather(
                        rows_v, [perm_v[q, :], perm_v[4 + q, :] + (t4 + 4 * k)]
                    )
                    asm_v[tt * 8 + k, pl.ds(q * 32, 32)] = plsc.bitcast(
                        vals, jnp.uint16
                    )
            return c2

        lax.fori_loop(0, 12, t_body, 0, unroll=False)
        pltpu.sync_copy(asm_v, out_hbm.at[base + i])
        return carry

    lax.fori_loop(0, _SPW, sample_body, 0, unroll=False)


@functools.cache
def _sc_gather():
    return pl.kernel(
        _sc_gather_body,
        out_type=jax.ShapeDtypeStruct((_B, 96, 128), jnp.uint16),
        mesh=plsc.VectorSubcoreMesh(
            core_axis_name="c", subcore_axis_name="s", num_cores=2, num_subcores=16
        ),
        scratch_types=[
            pltpu.VMEM((_SPW, _NCODES), jnp.int32),
            pltpu.VMEM((8, 16), jnp.int32),
            pltpu.VMEM((_NCODES, _ROWW), jnp.int32),
            pltpu.VMEM((96, 128), jnp.uint16),
            pltpu.SemaphoreType.DMA,
        ],
        compiler_params=pltpu.CompilerParams(
            needs_layout_passes=False, use_tc_tiling_on_sc=False
        ),
    )


def _finish_body(g_ref, s_ref, o_ref):
    gu = g_ref[...].astype(jnp.int32)
    sgnbit = (gu >> 15) << 31
    e = (gu >> 10) & 31
    m = gu & 1023
    normal = lax.bitcast_convert_type(
        sgnbit | ((e + 112) << 23) | (m << 13), jnp.float32
    )
    sub = m.astype(jnp.float32) * jnp.float32(2.0**-24)
    g = jnp.where(e == 0, jnp.where(sgnbit != 0, -sub, sub), normal)
    s = s_ref[...][:, None, :]
    core = 0.5 + s * (g - 0.5)
    bs = g.shape[0]
    half = jnp.full((bs, 1, 19, 128), 0.5, jnp.float32)
    o_ref[:, :, 0:19, :] = jnp.broadcast_to(half, (bs, 2, 19, 128))
    o_ref[:, 0, 19:67, :] = core[:, 0:48]
    o_ref[:, 1, 19:67, :] = core[:, 48:96]
    o_ref[:, :, 67:126, :] = jnp.full((bs, 2, 59, 128), 0.5, jnp.float32)


def _finish(gathf, sgn):
    bs = 8
    return pl.pallas_call(
        _finish_body,
        grid=(_B // bs,),
        in_specs=[
            pl.BlockSpec((bs, 96, 128), lambda i: (i, 0, 0)),
            pl.BlockSpec((bs, 128), lambda i: (i, 0)),
        ],
        out_specs=pl.BlockSpec((bs, 2, 126, 128), lambda i: (i, 0, 0, 0)),
        out_shape=jax.ShapeDtypeStruct((_B, 2, 126, 128), jnp.float32),
    )(gathf, sgn)


def kernel(x, data):
    codes, sgn = _decode(x)
    dataw = lax.bitcast_convert_type(
        data.reshape(_LTAB, _ROWW, 2), jnp.int32
    )
    gathw = _sc_gather()(codes, dataw, _perm_table())
    return _finish(gathw, sgn)

# --- scband reference (transcript-rebuilt; emitter-appended) ---
"""Pipeline reference for scband-decoder-81080392614208 (READ-ONLY COPY).

The authoritative reference and input builder live on the scoring server;
editing this copy changes nothing except your own understanding.
"""

import jax, jax.numpy as jnp
import numpy as np

SEL_START = 19
SEL_END = 67
N_SEL = 48  # len(SELECTED_ROWS)
NBITS = 22
FEEDBACK_BITS = 512
DATA_SIZE = 1000
ENCODING_BATCH_SIZE = 32768
# len(self.data) after initialize(): 16*ds + 84*ds = 100*ds rows, then padded to a
# multiple of ENCODING_BATCH_SIZE (via 1 leading 0.5-row + zero pad), capped at 2**(NBITS-1)
L_TABLE = min((1 + (100 * DATA_SIZE) // ENCODING_BATCH_SIZE) * ENCODING_BATCH_SIZE, 2 ** (NBITS - 1))
BATCH = 1024


def setup_inputs(seed: int = 0) -> dict:
    key = jax.random.key(seed)
    k1, k2 = jax.random.split(key)
    # bit-stream input: 512 bits per sample (first 6 bits are header, rest = 23 codes x 22 bits)
    x = jax.random.randint(k1, (BATCH, FEEDBACK_BITS), 0, 2, dtype=jnp.int32)
    # materialized post-initialize() codebook self.data: [L_TABLE, 2, 48, 8] float16 in [0,1]
    data = jax.random.uniform(k2, (L_TABLE, 2, N_SEL, 8), dtype=jnp.float32).astype(jnp.float16)
    return {"x": x, "data": data}


def reference(x, data):
    B = x.shape[0]
    L = data.shape[0]
    xb = x[:, 6:].reshape(B, 23, NBITS).astype(jnp.int32)
    powers = (jnp.int32(1) << jnp.arange(NBITS, dtype=jnp.int32))  # [NBITS]
    vals = jnp.sum(xb * powers[None, None, :], axis=2)  # [B, 23], values in [0, 2**22)
    bo1 = vals[:, :7]
    bo2 = vals[:, 7:14]
    bo3 = vals[:, 14:]

    def build(bo, c_lo, c_hi):
        k = bo.shape[1]
        c = c_hi - c_lo
        # sign = (-1) ** (bit_output > len(data))
        sign = jnp.where(bo > L, jnp.float16(-1.0), jnp.float16(1.0))[:, :, None, None, None]
        g = jnp.take(data, bo % L, axis=0)[..., c_lo:c_hi]  # [B, k, 2, 48, c]
        blk = jnp.float16(0.5) + sign * (g - jnp.float16(0.5))
        blk = jnp.transpose(blk, (0, 2, 3, 1, 4))  # [B, 2, 48, k, c]
        out = jnp.full((B, 2, 126, k, c), 0.5, dtype=jnp.float16)
        out = out.at[:, :, SEL_START:SEL_END].set(blk)
        return out

    out1 = build(bo1, 0, 4)  # [B, 2, 126, 7, 4]
    out2 = build(bo2, 4, 8)  # [B, 2, 126, 7, 4]
    out3 = build(bo3, 0, 8)  # [B, 2, 126, 9, 8]
    out = jnp.concatenate([jnp.concatenate([out1, out2], axis=4), out3], axis=3)
    return out.reshape(B, 2, 126, 128).astype(jnp.float32)

if __name__ == "__main__":
    import jax
    _d = setup_inputs()
    print(jax.jit(kernel)(*tuple(_d.values())))

</pallas_src>

<mosaic_0001>
#map = affine_map<(d0, d1) -> (0, 0)>
#map1 = affine_map<(d0, d1) -> (0, 0, 0)>
module attributes {stable_mosaic.version = 14 : i64} {
  func.func @_sc_gather_body(%arg0: i32, %arg1: i32, %arg2: memref<1024x23xi32, #tpu.memory_space<hbm>>, %arg3: memref<131072x384xi32, #tpu.memory_space<hbm>>, %arg4: memref<8x16xi32, #tpu.memory_space<hbm>>, %arg5: memref<1024x96x128xi16, #tpu.memory_space<hbm>>, %arg6: memref<32x23xi32, #tpu.memory_space<vmem>>, %arg7: memref<8x16xi32, #tpu.memory_space<vmem>>, %arg8: memref<23x384xi32, #tpu.memory_space<vmem>>, %arg9: memref<96x128xi16, #tpu.memory_space<vmem>>, %arg10: memref<!tpu.dma_semaphore, #tpu.memory_space<semaphore_mem>>) attributes {dimension_semantics = [#tpu.dimension_semantics<core_parallel>, #tpu.dimension_semantics<subcore_parallel>], iteration_bounds = array<i64: 2, 16>, scalar_prefetch = 0 : i64, scratch_operands = 5 : i64, tpu.core_type = #tpu.core_type<sc_vector_subcore>, window_params = [{transform_indices = #map}, {transform_indices = #map}, {transform_indices = #map}, {transform_indices = #map1}]} {
    %mul3A = arith.constant 2 : i32
    %mul3A_0 = arith.muli %arg1, %mul3A : i32
    %add3A = arith.addi %mul3A_0, %arg0 : i32
    %mul3A_1 = arith.constant 32 : i32
    %mul3A_2 = arith.muli %add3A, %mul3A_1 : i32
    "tpu.region"() ({
      %run_scoped3A = tpu.sem_alloc : memref<!tpu.dma_semaphore, #tpu.memory_space<semaphore_mem>>
      %dma_start3A = arith.constant 0 : i32
      %dma_start3A_8 = tpu.memref_slice %arg2[%mul3A_2, %dma_start3A] : memref<1024x23xi32, #tpu.memory_space<hbm>> -> memref<32x23xi32, #tpu.memory_space<hbm>>
      %dma_start3A_9 = arith.constant 0 : i32
      %dma_start3A_10 = tpu.memref_slice %arg2[%mul3A_2, %dma_start3A_9] : memref<1024x23xi32, #tpu.memory_space<hbm>> -> memref<32x23xi32, #tpu.memory_space<hbm>>
      tpu.enqueue_dma source(%dma_start3A_10 : memref<32x23xi32, #tpu.memory_space<hbm>>) target(%arg6 : memref<32x23xi32, #tpu.memory_space<vmem>>) target_semaphore(%run_scoped3A : memref<!tpu.dma_semaphore, #tpu.memory_space<semaphore_mem>>)
      %dma_wait3A = arith.constant 0 : i32
      %dma_wait3A_11 = tpu.memref_slice %arg2[%mul3A_2, %dma_wait3A] : memref<1024x23xi32, #tpu.memory_space<hbm>> -> memref<32x23xi32, #tpu.memory_space<hbm>>
      %dma_wait3A_12 = arith.constant 0 : i32
      %dma_wait3A_13 = tpu.memref_slice %arg2[%mul3A_2, %dma_wait3A_12] : memref<1024x23xi32, #tpu.memory_space<hbm>> -> memref<32x23xi32, #tpu.memory_space<hbm>>
      tpu.wait_dma2 semaphore(%run_scoped3A : memref<!tpu.dma_semaphore, #tpu.memory_space<semaphore_mem>>) src(%dma_wait3A_13 : memref<32x23xi32, #tpu.memory_space<hbm>>) dst(%arg6 : memref<32x23xi32, #tpu.memory_space<vmem>>)
      tpu.yield
    }) : () -> ()
    "tpu.region"() ({
      %run_scoped3A = tpu.sem_alloc : memref<!tpu.dma_semaphore, #tpu.memory_space<semaphore_mem>>
      tpu.enqueue_dma source(%arg4 : memref<8x16xi32, #tpu.memory_space<hbm>>) target(%arg7 : memref<8x16xi32, #tpu.memory_space<vmem>>) target_semaphore(%run_scoped3A : memref<!tpu.dma_semaphore, #tpu.memory_space<semaphore_mem>>)
      tpu.wait_dma2 semaphore(%run_scoped3A : memref<!tpu.dma_semaphore, #tpu.memory_space<semaphore_mem>>) src(%arg4 : memref<8x16xi32, #tpu.memory_space<hbm>>) dst(%arg7 : memref<8x16xi32, #tpu.memory_space<vmem>>)
      tpu.yield
    }) : () -> ()
    %scan3A = arith.constant 0 : i32
    %scan3A_3 = arith.constant 0 : i32
    %scan3A_4 = arith.constant 32 : i32
    %scan3A_5 = arith.addi %scan3A_3, %scan3A_4 : i32
    %scan3A_6 = arith.constant 1 : i32
    scf.for %scan3A_8 = %scan3A_3 to %scan3A_5 step %scan3A_6  : i32 {
      %dma_start3A = arith.constant 0 : i32
      %dma_start3A_9 = tpu.memref_slice %arg6[%scan3A_8, %dma_start3A] : memref<32x23xi32, #tpu.memory_space<vmem>> -> memref<1x23xi32, #tpu.memory_space<vmem>>
      %dma_start3A_10 = tpu.memref_squeeze %dma_start3A_9 : memref<1x23xi32, #tpu.memory_space<vmem>> -> memref<23xi32, #tpu.memory_space<vmem>>
      %dma_start3A_11 = arith.constant 0 : i32
      %dma_start3A_12 = arith.constant 0 : i32
      %dma_start3A_13 = tpu.memref_slice %arg3[%dma_start3A_11, %dma_start3A_12] : memref<131072x384xi32, #tpu.memory_space<hbm>> -> memref<131072x384xi32, #tpu.memory_space<hbm>>
      tpu.enqueue_indirect_dma source(%dma_start3A_13 : memref<131072x384xi32, #tpu.memory_space<hbm>>) target(%arg8 : memref<23x384xi32, #tpu.memory_space<vmem>>) offsets(%dma_start3A_10 : memref<23xi32, #tpu.memory_space<vmem>>) semaphore(%arg10 : memref<!tpu.dma_semaphore, #tpu.memory_space<semaphore_mem>>)
      %dma_wait3A = arith.constant 0 : i32
      %dma_wait3A_14 = tpu.memref_slice %arg6[%scan3A_8, %dma_wait3A] : memref<32x23xi32, #tpu.memory_space<vmem>> -> memref<1x23xi32, #tpu.memory_space<vmem>>
      %dma_wait3A_15 = tpu.memref_squeeze %dma_wait3A_14 : memref<1x23xi32, #tpu.memory_space<vmem>> -> memref<23xi32, #tpu.memory_space<vmem>>
      %dma_wait3A_16 = arith.constant 0 : i32
      %dma_wait3A_17 = arith.constant 0 : i32
      %dma_wait3A_18 = tpu.memref_slice %arg3[%dma_wait3A_16, %dma_wait3A_17] : memref<131072x384xi32, #tpu.memory_space<hbm>> -> memref<131072x384xi32, #tpu.memory_space<hbm>>
      tpu.wait_indirect_dma semaphore(%arg10 : memref<!tpu.dma_semaphore, #tpu.memory_space<semaphore_mem>>) src(%dma_wait3A_18 : memref<131072x384xi32, #tpu.memory_space<hbm>>) dst(%arg8 : memref<23x384xi32, #tpu.memory_space<vmem>>)
      %scan3A_19 = arith.constant 0 : i32
      %scan3A_20 = arith.constant 0 : i32
      %scan3A_21 = arith.constant 12 : i32
      %scan3A_22 = arith.addi %scan3A_20, %scan3A_21 : i32
      %scan3A_23 = arith.constant 1 : i32
      scf.for %scan3A_26 = %scan3A_20 to %scan3A_22 step %scan3A_23  : i32 {
        %mul3A_27 = arith.constant 32 : i32
        %mul3A_28 = arith.muli %scan3A_26, %mul3A_27 : i32
        %get3A = arith.constant 0 : i32
        %get3A_29 = arith.index_cast %get3A : i32 to index
        %get3A_30 = arith.constant 0 : index
        %get3A_31 = tpu.vector_load %arg7[%get3A_29, %get3A_30] {strides = array<i32>} : memref<8x16xi32, #tpu.memory_space<vmem>>, vector<16xi32>,
        %get3A_32 = arith.constant 4 : i32
        %get3A_33 = arith.index_cast %get3A_32 : i32 to index
        %get3A_34 = arith.constant 0 : index
        %get3A_35 = tpu.vector_load %arg7[%get3A_33, %get3A_34] {strides = array<i32>} : memref<8x16xi32, #tpu.memory_space<vmem>>, vector<16xi32>,
        %add3A_36 = arith.constant 0 : i32
        %add3A_37 = arith.addi %mul3A_28, %add3A_36 : i32
        %add3A_38 = vector.broadcast %add3A_37 : i32 to vector<16xi32>
        %add3A_39 = arith.addi %get3A_35, %add3A_38 : vector<16xi32>
        %gather3A = tpu.vector_load_idx %arg8[%get3A_31, %add3A_39] : memref<23x384xi32, #tpu.memory_space<vmem>>[vector<16xi32>, vector<16xi32>], vector<16xi32>,
        %bitcast3A = vector.bitcast %gather3A : vector<16xi32> to vector<32xi16>
        %mul3A_40 = arith.constant 8 : i32
        %mul3A_41 = arith.muli %scan3A_26, %mul3A_40 : i32
        %add3A_42 = arith.constant 0 : i32
        %add3A_43 = arith.addi %mul3A_41, %add3A_42 : i32
        %swap3A = arith.index_cast %add3A_43 : i32 to index
        %swap3A_44 = arith.constant 0 : index
        %swap3A_45 = tpu.vector_load %arg9[%swap3A, %swap3A_44] {strides = array<i32>} : memref<96x128xi16, #tpu.memory_space<vmem>>, vector<32xi16>,
        tpu.vector_store %arg9[%swap3A, %swap3A_44], %bitcast3A {strides = array<i32>} : memref<96x128xi16, #tpu.memory_space<vmem>>, vector<32xi16>,
        %get3A_46 = arith.constant 1 : i32
        %get3A_47 = arith.index_cast %get3A_46 : i32 to index
        %get3A_48 = arith.constant 0 : index
        %get3A_49 = tpu.vector_load %arg7[%get3A_47, %get3A_48] {strides = array<i32>} : memref<8x16xi32, #tpu.memory_space<vmem>>, vector<16xi32>,
        %get3A_50 = arith.constant 5 : i32
        %get3A_51 = arith.index_cast %get3A_50 : i32 to index
        %get3A_52 = arith.constant 0 : index
        %get3A_53 = tpu.vector_load %arg7[%get3A_51, %get3A_52] {strides = array<i32>} : memref<8x16xi32, #tpu.memory_space<vmem>>, vector<16xi32>,
        %add3A_54 = arith.constant 0 : i32
        %add3A_55 = arith.addi %mul3A_28, %add3A_54 : i32
        %add3A_56 = vector.broadcast %add3A_55 : i32 to vector<16xi32>
        %add3A_57 = arith.addi %get3A_53, %add3A_56 : vector<16xi32>
        %gather3A_58 = tpu.vector_load_idx %arg8[%get3A_49, %add3A_57] : memref<23x384xi32, #tpu.memory_space<vmem>>[vector<16xi32>, vector<16xi32>], vector<16xi32>,
        %bitcast3A_59 = vector.bitcast %gather3A_58 : vector<16xi32> to vector<32xi16>
        %mul3A_60 = arith.constant 8 : i32
        %mul3A_61 = arith.muli %scan3A_26, %mul3A_60 : i32
        %add3A_62 = arith.constant 0 : i32
        %add3A_63 = arith.addi %mul3A_61, %add3A_62 : i32
        %swap3A_64 = arith.index_cast %add3A_63 : i32 to index
        %swap3A_65 = arith.constant 32 : index
        %swap3A_66 = tpu.vector_load %arg9[%swap3A_64, %swap3A_65] {strides = array<i32>} : memref<96x128xi16, #tpu.memory_space<vmem>>, vector<32xi16>,
        tpu.vector_store %arg9[%swap3A_64, %swap3A_65], %bitcast3A_59 {strides = array<i32>} : memref<96x128xi16, #tpu.memory_space<vmem>>, vector<32xi16>,
        %get3A_67 = arith.constant 2 : i32
        %get3A_68 = arith.index_cast %get3A_67 : i32 to index
        %get3A_69 = arith.constant 0 : index
        %get3A_70 = tpu.vector_load %arg7[%get3A_68, %get3A_69] {strides = array<i32>} : memref<8x16xi32, #tpu.memory_space<vmem>>, vector<16xi32>,
        %get3A_71 = arith.constant 6 : i32
        %get3A_72 = arith.index_cast %get3A_71 : i32 to index
        %get3A_73 = arith.constant 0 : index
        %get3A_74 = tpu.vector_load %arg7[%get3A_72, %get3A_73] {strides = array<i32>} : memref<8x16xi32, #tpu.memory_space<vmem>>, vector<16xi32>,
        %add3A_75 = arith.constant 0 : i32
        %add3A_76 = arith.addi %mul3A_28, %add3A_75 : i32
        %add3A_77 = vector.broadcast %add3A_76 : i32 to vector<16xi32>
        %add3A_78 = arith.addi %get3A_74, %add3A_77 : vector<16xi32>
        %gather3A_79 = tpu.vector_load_idx %arg8[%get3A_70, %add3A_78] : memref<23x384xi32, #tpu.memory_space<vmem>>[vector<16xi32>, vector<16xi32>], vector<16xi32>,
        %bitcast3A_80 = vector.bitcast %gather3A_79 : vector<16xi32> to vector<32xi16>
        %mul3A_81 = arith.constant 8 : i32
        %mul3A_82 = arith.muli %scan3A_26, %mul3A_81 : i32
        %add3A_83 = arith.constant 0 : i32
        %add3A_84 = arith.addi %mul3A_82, %add3A_83 : i32
        %swap3A_85 = arith.index_cast %add3A_84 : i32 to index
        %swap3A_86 = arith.constant 64 : index
        %swap3A_87 = tpu.vector_load %arg9[%swap3A_85, %swap3A_86] {strides = array<i32>} : memref<96x128xi16, #tpu.memory_space<vmem>>, vector<32xi16>,
        tpu.vector_store %arg9[%swap3A_85, %swap3A_86], %bitcast3A_80 {strides = array<i32>} : memref<96x128xi16, #tpu.memory_space<vmem>>, vector<32xi16>,
        %get3A_88 = arith.constant 3 : i32
        %get3A_89 = arith.index_cast %get3A_88 : i32 to index
        %get3A_90 = arith.constant 0 : index
        %get3A_91 = tpu.vector_load %arg7[%get3A_89, %get3A_90] {strides = array<i32>} : memref<8x16xi32, #tpu.memory_space<vmem>>, vector<16xi32>,
        %get3A_92 = arith.constant 7 : i32
        %get3A_93 = arith.index_cast %get3A_92 : i32 to index
        %get3A_94 = arith.constant 0 : index
        %get3A_95 = tpu.vector_load %arg7[%get3A_93, %get3A_94] {strides = array<i32>} : memref<8x16xi32, #tpu.memory_space<vmem>>, vector<16xi32>,
        %add3A_96 = arith.constant 0 : i32
        %add3A_97 = arith.addi %mul3A_28, %add3A_96 : i32
        %add3A_98 = vector.broadcast %add3A_97 : i32 to vector<16xi32>
        %add3A_99 = arith.addi %get3A_95, %add3A_98 : vector<16xi32>
        %gather3A_100 = tpu.vector_load_idx %arg8[%get3A_91, %add3A_99] : memref<23x384xi32, #tpu.memory_space<vmem>>[vector<16xi32>, vector<16xi32>], vector<16xi32>,
        %bitcast3A_101 = vector.bitcast %gather3A_100 : vector<16xi32> to vector<32xi16>
        %mul3A_102 = arith.constant 8 : i32
        %mul3A_103 = arith.muli %scan3A_26, %mul3A_102 : i32
        %add3A_104 = arith.constant 0 : i32
        %add3A_105 = arith.addi %mul3A_103, %add3A_104 : i32
        %swap3A_106 = arith.index_cast %add3A_105 : i32 to index
        %swap3A_107 = arith.constant 96 : index
        %swap3A_108 = tpu.vector_load %arg9[%swap3A_106, %swap3A_107] {strides = array<i32>} : memref<96x128xi16, #tpu.memory_space<vmem>>, vector<32xi16>,
        tpu.vector_store %arg9[%swap3A_106, %swap3A_107], %bitcast3A_101 {strides = array<i32>} : memref<96x128xi16, #tpu.memory_space<vmem>>, vector<32xi16>,
        %get3A_109 = arith.constant 0 : i32
        %get3A_110 = arith.index_cast %get3A_109 : i32 to index
        %get3A_111 = arith.constant 0 : index
        %get3A_112 = tpu.vector_load %arg7[%get3A_110, %get3A_111] {strides = array<i32>} : memref<8x16xi32, #tpu.memory_space<vmem>>, vector<16xi32>,
        %get3A_113 = arith.constant 4 : i32
        %get3A_114 = arith.index_cast %get3A_113 : i32 to index
        %get3A_115 = arith.constant 0 : index
        %get3A_116 = tpu.vector_load %arg7[%get3A_114, %get3A_115] {strides = array<i32>} : memref<8x16xi32, #tpu.memory_space<vmem>>, vector<16xi32>,
        %add3A_117 = arith.constant 4 : i32
        %add3A_118 = arith.addi %mul3A_28, %add3A_117 : i32
        %add3A_119 = vector.broadcast %add3A_118 : i32 to vector<16xi32>
        %add3A_120 = arith.addi %get3A_116, %add3A_119 : vector<16xi32>
        %gather3A_121 = tpu.vector_load_idx %arg8[%get3A_112, %add3A_120] : memref<23x384xi32, #tpu.memory_space<vmem>>[vector<16xi32>, vector<16xi32>], vector<16xi32>,
        %bitcast3A_122 = vector.bitcast %gather3A_121 : vector<16xi32> to vector<32xi16>
        %mul3A_123 = arith.constant 8 : i32
        %mul3A_124 = arith.muli %scan3A_26, %mul3A_123 : i32
        %add3A_125 = arith.constant 1 : i32
        %add3A_126 = arith.addi %mul3A_124, %add3A_125 : i32
        %swap3A_127 = arith.index_cast %add3A_126 : i32 to index
        %swap3A_128 = arith.constant 0 : index
        %swap3A_129 = tpu.vector_load %arg9[%swap3A_127, %swap3A_128] {strides = array<i32>} : memref<96x128xi16, #tpu.memory_space<vmem>>, vector<32xi16>,
        tpu.vector_store %arg9[%swap3A_127, %swap3A_128], %bitcast3A_122 {strides = array<i32>} : memref<96x128xi16, #tpu.memory_space<vmem>>, vector<32xi16>,
        %get3A_130 = arith.constant 1 : i32
        %get3A_131 = arith.index_cast %get3A_130 : i32 to index
        %get3A_132 = arith.constant 0 : index
        %get3A_133 = tpu.vector_load %arg7[%get3A_131, %get3A_132] {strides = array<i32>} : memref<8x16xi32, #tpu.memory_space<vmem>>, vector<16xi32>,
        %get3A_134 = arith.constant 5 : i32
        %get3A_135 = arith.index_cast %get3A_134 : i32 to index
        %get3A_136 = arith.constant 0 : index
        %get3A_137 = tpu.vector_load %arg7[%get3A_135, %get3A_136] {strides = array<i32>} : memref<8x16xi32, #tpu.memory_space<vmem>>, vector<16xi32>,
        %add3A_138 = arith.constant 4 : i32
        %add3A_139 = arith.addi %mul3A_28, %add3A_138 : i32
        %add3A_140 = vector.broadcast %add3A_139 : i32 to vector<16xi32>
        %add3A_141 = arith.addi %get3A_137, %add3A_140 : vector<16xi32>
        %gather3A_142 = tpu.vector_load_idx %arg8[%get3A_133, %add3A_141] : memref<23x384xi32, #tpu.memory_space<vmem>>[vector<16xi32>, vector<16xi32>], vector<16xi32>,
        %bitcast3A_143 = vector.bitcast %gather3A_142 : vector<16xi32> to vector<32xi16>
        %mul3A_144 = arith.constant 8 : i32
        %mul3A_145 = arith.muli %scan3A_26, %mul3A_144 : i32
        %add3A_146 = arith.constant 1 : i32
        %add3A_147 = arith.addi %mul3A_145, %add3A_146 : i32
        %swap3A_148 = arith.index_cast %add3A_147 : i32 to index
        %swap3A_149 = arith.constant 32 : index
        %swap3A_150 = tpu.vector_load %arg9[%swap3A_148, %swap3A_149] {strides = array<i32>} : memref<96x128xi16, #tpu.memory_space<vmem>>, vector<32xi16>,
        tpu.vector_store %arg9[%swap3A_148, %swap3A_149], %bitcast3A_143 {strides = array<i32>} : memref<96x128xi16, #tpu.memory_space<vmem>>, vector<32xi16>,
        %get3A_151 = arith.constant 2 : i32
        %get3A_152 = arith.index_cast %get3A_151 : i32 to index
        %get3A_153 = arith.constant 0 : index
        %get3A_154 = tpu.vector_load %arg7[%get3A_152, %get3A_153] {strides = array<i32>} : memref<8x16xi32, #tpu.memory_space<vmem>>, vector<16xi32>,
        %get3A_155 = arith.constant 6 : i32
        %get3A_156 = arith.index_cast %get3A_155 : i32 to index
        %get3A_157 = arith.constant 0 : index
        %get3A_158 = tpu.vector_load %arg7[%get3A_156, %get3A_157] {strides = array<i32>} : memref<8x16xi32, #tpu.memory_space<vmem>>, vector<16xi32>,
        %add3A_159 = arith.constant 4 : i32
        %add3A_160 = arith.addi %mul3A_28, %add3A_159 : i32
        %add3A_161 = vector.broadcast %add3A_160 : i32 to vector<16xi32>
        %add3A_162 = arith.addi %get3A_158, %add3A_161 : vector<16xi32>
        %gather3A_163 = tpu.vector_load_idx %arg8[%get3A_154, %add3A_162] : memref<23x384xi32, #tpu.memory_space<vmem>>[vector<16xi32>, vector<16xi32>], vector<16xi32>,
        %bitcast3A_164 = vector.bitcast %gather3A_163 : vector<16xi32> to vector<32xi16>
        %mul3A_165 = arith.constant 8 : i32
        %mul3A_166 = arith.muli %scan3A_26, %mul3A_165 : i32
        %add3A_167 = arith.constant 1 : i32
        %add3A_168 = arith.addi %mul3A_166, %add3A_167 : i32
        %swap3A_169 = arith.index_cast %add3A_168 : i32 to index
        %swap3A_170 = arith.constant 64 : index
        %swap3A_171 = tpu.vector_load %arg9[%swap3A_169, %swap3A_170] {strides = array<i32>} : memref<96x128xi16, #tpu.memory_space<vmem>>, vector<32xi16>,
        tpu.vector_store %arg9[%swap3A_169, %swap3A_170], %bitcast3A_164 {strides = array<i32>} : memref<96x128xi16, #tpu.memory_space<vmem>>, vector<32xi16>,
        %get3A_172 = arith.constant 3 : i32
        %get3A_173 = arith.index_cast %get3A_172 : i32 to index
        %get3A_174 = arith.constant 0 : index
        %get3A_175 = tpu.vector_load %arg7[%get3A_173, %get3A_174] {strides = array<i32>} : memref<8x16xi32, #tpu.memory_space<vmem>>, vector<16xi32>,
        %get3A_176 = arith.constant 7 : i32
        %get3A_177 = arith.index_cast %get3A_176 : i32 to index
        %get3A_178 = arith.constant 0 : index
        %get3A_179 = tpu.vector_load %arg7[%get3A_177, %get3A_178] {strides = array<i32>} : memref<8x16xi32, #tpu.memory_space<vmem>>, vector<16xi32>,
        %add3A_180 = arith.constant 4 : i32
        %add3A_181 = arith.addi %mul3A_28, %add3A_180 : i32
        %add3A_182 = vector.broadcast %add3A_181 : i32 to vector<16xi32>
        %add3A_183 = arith.addi %get3A_179, %add3A_182 : vector<16xi32>
        %gather3A_184 = tpu.vector_load_idx %arg8[%get3A_175, %add3A_183] : memref<23x384xi32, #tpu.memory_space<vmem>>[vector<16xi32>, vector<16xi32>], vector<16xi32>,
        %bitcast3A_185 = vector.bitcast %gather3A_184 : vector<16xi32> to vector<32xi16>
        %mul3A_186 = arith.constant 8 : i32
        %mul3A_187 = arith.muli %scan3A_26, %mul3A_186 : i32
        %add3A_188 = arith.constant 1 : i32
        %add3A_189 = arith.addi %mul3A_187, %add3A_188 : i32
        %swap3A_190 = arith.index_cast %add3A_189 : i32 to index
        %swap3A_191 = arith.constant 96 : index
        %swap3A_192 = tpu.vector_load %arg9[%swap3A_190, %swap3A_191] {strides = array<i32>} : memref<96x128xi16, #tpu.memory_space<vmem>>, vector<32xi16>,
        tpu.vector_store %arg9[%swap3A_190, %swap3A_191], %bitcast3A_185 {strides = array<i32>} : memref<96x128xi16, #tpu.memory_space<vmem>>, vector<32xi16>,
        %get3A_193 = arith.constant 0 : i32
        %get3A_194 = arith.index_cast %get3A_193 : i32 to index
        %get3A_195 = arith.constant 0 : index
        %get3A_196 = tpu.vector_load %arg7[%get3A_194, %get3A_195] {strides = array<i32>} : memref<8x16xi32, #tpu.memory_space<vmem>>, vector<16xi32>,
        %get3A_197 = arith.constant 4 : i32
        %get3A_198 = arith.index_cast %get3A_197 : i32 to index
        %get3A_199 = arith.constant 0 : index
        %get3A_200 = tpu.vector_load %arg7[%get3A_198, %get3A_199] {strides = array<i32>} : memref<8x16xi32, #tpu.memory_space<vmem>>, vector<16xi32>,
        %add3A_201 = arith.constant 8 : i32
        %add3A_202 = arith.addi %mul3A_28, %add3A_201 : i32
        %add3A_203 = vector.broadcast %add3A_202 : i32 to vector<16xi32>
        %add3A_204 = arith.addi %get3A_200, %add3A_203 : vector<16xi32>
        %gather3A_205 = tpu.vector_load_idx %arg8[%get3A_196, %add3A_204] : memref<23x384xi32, #tpu.memory_space<vmem>>[vector<16xi32>, vector<16xi32>], vector<16xi32>,
        %bitcast3A_206 = vector.bitcast %gather3A_205 : vector<16xi32> to vector<32xi16>
        %mul3A_207 = arith.constant 8 : i32
        %mul3A_208 = arith.muli %scan3A_26, %mul3A_207 : i32
        %add3A_209 = arith.constant 2 : i32
        %add3A_210 = arith.addi %mul3A_208, %add3A_209 : i32
        %swap3A_211 = arith.index_cast %add3A_210 : i32 to index
        %swap3A_212 = arith.constant 0 : index
        %swap3A_213 = tpu.vector_load %arg9[%swap3A_211, %swap3A_212] {strides = array<i32>} : memref<96x128xi16, #tpu.memory_space<vmem>>, vector<32xi16>,
        tpu.vector_store %arg9[%swap3A_211, %swap3A_212], %bitcast3A_206 {strides = array<i32>} : memref<96x128xi16, #tpu.memory_space<vmem>>, vector<32xi16>,
        %get3A_214 = arith.constant 1 : i32
        %get3A_215 = arith.index_cast %get3A_214 : i32 to index
        %get3A_216 = arith.constant 0 : index
        %get3A_217 = tpu.vector_load %arg7[%get3A_215, %get3A_216] {strides = array<i32>} : memref<8x16xi32, #tpu.memory_space<vmem>>, vector<16xi32>,
        %get3A_218 = arith.constant 5 : i32
        %get3A_219 = arith.index_cast %get3A_218 : i32 to index
        %get3A_220 = arith.constant 0 : index
        %get3A_221 = tpu.vector_load %arg7[%get3A_219, %get3A_220] {strides = array<i32>} : memref<8x16xi32, #tpu.memory_space<vmem>>, vector<16xi32>,
        %add3A_222 = arith.constant 8 : i32
        %add3A_223 = arith.addi %mul3A_28, %add3A_222 : i32
        %add3A_224 = vector.broadcast %add3A_223 : i32 to vector<16xi32>
        %add3A_225 = arith.addi %get3A_221, %add3A_224 : vector<16xi32>
        %gather3A_226 = tpu.vector_load_idx %arg8[%get3A_217, %add3A_225] : memref<23x384xi32, #tpu.memory_space<vmem>>[vector<16xi32>, vector<16xi32>], vector<16xi32>,
        %bitcast3A_227 = vector.bitcast %gather3A_226 : vector<16xi32> to vector<32xi16>
        %mul3A_228 = arith.constant 8 : i32
        %mul3A_229 = arith.muli %scan3A_26, %mul3A_228 : i32
        %add3A_230 = arith.constant 2 : i32
        %add3A_231 = arith.addi %mul3A_229, %add3A_230 : i32
        %swap3A_232 = arith.index_cast %add3A_231 : i32 to index
        %swap3A_233 = arith.constant 32 : index
        %swap3A_234 = tpu.vector_load %arg9[%swap3A_232, %swap3A_233] {strides = array<i32>} : memref<96x128xi16, #tpu.memory_space<vmem>>, vector<32xi16>,
        tpu.vector_store %arg9[%swap3A_232, %swap3A_233], %bitcast3A_227 {strides = array<i32>} : memref<96x128xi16, #tpu.memory_space<vmem>>, vector<32xi16>,
        %get3A_235 = arith.constant 2 : i32
        %get3A_236 = arith.index_cast %get3A_235 : i32 to index
        %get3A_237 = arith.constant 0 : index
        %get3A_238 = tpu.vector_load %arg7[%get3A_236, %get3A_237] {strides = array<i32>} : memref<8x16xi32, #tpu.memory_space<vmem>>, vector<16xi32>,
        %get3A_239 = arith.constant 6 : i32
        %get3A_240 = arith.index_cast %get3A_239 : i32 to index
        %get3A_241 = arith.constant 0 : index
        %get3A_242 = tpu.vector_load %arg7[%get3A_240, %get3A_241] {strides = array<i32>} : memref<8x16xi32, #tpu.memory_space<vmem>>, vector<16xi32>,
        %add3A_243 = arith.constant 8 : i32
        %add3A_244 = arith.addi %mul3A_28, %add3A_243 : i32
        %add3A_245 = vector.broadcast %add3A_244 : i32 to vector<16xi32>
        %add3A_246 = arith.addi %get3A_242, %add3A_245 : vector<16xi32>
        %gather3A_247 = tpu.vector_load_idx %arg8[%get3A_238, %add3A_246] : memref<23x384xi32, #tpu.memory_space<vmem>>[vector<16xi32>, vector<16xi32>], vector<16xi32>,
        %bitcast3A_248 = vector.bitcast %gather3A_247 : vector<16xi32> to vector<32xi16>
        %mul3A_249 = arith.constant 8 : i32
        %mul3A_250 = arith.muli %scan3A_26, %mul3A_249 : i32
        %add3A_251 = arith.constant 2 : i32
        %add3A_252 = arith.addi %mul3A_250, %add3A_251 : i32
        %swap3A_253 = arith.index_cast %add3A_252 : i32 to index
        %swap3A_254 = arith.constant 64 : index
        %swap3A_255 = tpu.vector_load %arg9[%swap3A_253, %swap3A_254] {strides = array<i32>} : memref<96x128xi16, #tpu.memory_space<vmem>>, vector<32xi16>,
        tpu.vector_store %arg9[%swap3A_253, %swap3A_254], %bitcast3A_248 {strides = array<i32>} : memref<96x128xi16, #tpu.memory_space<vmem>>, vector<32xi16>,
        %get3A_256 = arith.constant 3 : i32
        %get3A_257 = arith.index_cast %get3A_256 : i32 to index
        %get3A_258 = arith.constant 0 : index
        %get3A_259 = tpu.vector_load %arg7[%get3A_257, %get3A_258] {strides = array<i32>} : memref<8x16xi32, #tpu.memory_space<vmem>>, vector<16xi32>,
        %get3A_260 = arith.constant 7 : i32
        %get3A_261 = arith.index_cast %get3A_260 : i32 to index
        %get3A_262 = arith.constant 0 : index
        %get3A_263 = tpu.vector_load %arg7[%get3A_261, %get3A_262] {strides = array<i32>} : memref<8x16xi32, #tpu.memory_space<vmem>>, vector<16xi32>,
        %add3A_264 = arith.constant 8 : i32
        %add3A_265 = arith.addi %mul3A_28, %add3A_264 : i32
        %add3A_266 = vector.broadcast %add3A_265 : i32 to vector<16xi32>
        %add3A_267 = arith.addi %get3A_263, %add3A_266 : vector<16xi32>
        %gather3A_268 = tpu.vector_load_idx %arg8[%get3A_259, %add3A_267] : memref<23x384xi32, #tpu.memory_space<vmem>>[vector<16xi32>, vector<16xi32>], vector<16xi32>,
        %bitcast3A_269 = vector.bitcast %gather3A_268 : vector<16xi32> to vector<32xi16>
        %mul3A_270 = arith.constant 8 : i32
        %mul3A_271 = arith.muli %scan3A_26, %mul3A_270 : i32
        %add3A_272 = arith.constant 2 : i32
        %add3A_273 = arith.addi %mul3A_271, %add3A_272 : i32
        %swap3A_274 = arith.index_cast %add3A_273 : i32 to index
        %swap3A_275 = arith.constant 96 : index
        %swap3A_276 = tpu.vector_load %arg9[%swap3A_274, %swap3A_275] {strides = array<i32>} : memref<96x128xi16, #tpu.memory_space<vmem>>, vector<32xi16>,
        tpu.vector_store %arg9[%swap3A_274, %swap3A_275], %bitcast3A_269 {strides = array<i32>} : memref<96x128xi16, #tpu.memory_space<vmem>>, vector<32xi16>,
        %get3A_277 = arith.constant 0 : i32
        %get3A_278 = arith.index_cast %get3A_277 : i32 to index
        %get3A_279 = arith.constant 0 : index
        %get3A_280 = tpu.vector_load %arg7[%get3A_278, %get3A_279] {strides = array<i32>} : memref<8x16xi32, #tpu.memory_space<vmem>>, vector<16xi32>,
        %get3A_281 = arith.constant 4 : i32
        %get3A_282 = arith.index_cast %get3A_281 : i32 to index
        %get3A_283 = arith.constant 0 : index
        %get3A_284 = tpu.vector_load %arg7[%get3A_282, %get3A_283] {strides = array<i32>} : memref<8x16xi32, #tpu.memory_space<vmem>>, vector<16xi32>,
        %add3A_285 = arith.constant 12 : i32
        %add3A_286 = arith.addi %mul3A_28, %add3A_285 : i32
        %add3A_287 = vector.broadcast %add3A_286 : i32 to vector<16xi32>
        %add3A_288 = arith.addi %get3A_284, %add3A_287 : vector<16xi32>
        %gather3A_289 = tpu.vector_load_idx %arg8[%get3A_280, %add3A_288] : memref<23x384xi32, #tpu.memory_space<vmem>>[vector<16xi32>, vector<16xi32>], vector<16xi32>,
        %bitcast3A_290 = vector.bitcast %gather3A_289 : vector<16xi32> to vector<32xi16>
        %mul3A_291 = arith.constant 8 : i32
        %mul3A_292 = arith.muli %scan3A_26, %mul3A_291 : i32
        %add3A_293 = arith.constant 3 : i32
        %add3A_294 = arith.addi %mul3A_292, %add3A_293 : i32
        %swap3A_295 = arith.index_cast %add3A_294 : i32 to index
        %swap3A_296 = arith.constant 0 : index
        %swap3A_297 = tpu.vector_load %arg9[%swap3A_295, %swap3A_296] {strides = array<i32>} : memref<96x128xi16, #tpu.memory_space<vmem>>, vector<32xi16>,
        tpu.vector_store %arg9[%swap3A_295, %swap3A_296], %bitcast3A_290 {strides = array<i32>} : memref<96x128xi16, #tpu.memory_space<vmem>>, vector<32xi16>,
        %get3A_298 = arith.constant 1 : i32
        %get3A_299 = arith.index_cast %get3A_298 : i32 to index
        %get3A_300 = arith.constant 0 : index
        %get3A_301 = tpu.vector_load %arg7[%get3A_299, %get3A_300] {strides = array<i32>} : memref<8x16xi32, #tpu.memory_space<vmem>>, vector<16xi32>,
        %get3A_302 = arith.constant 5 : i32
        %get3A_303 = arith.index_cast %get3A_302 : i32 to index
        %get3A_304 = arith.constant 0 : index
        %get3A_305 = tpu.vector_load %arg7[%get3A_303, %get3A_304] {strides = array<i32>} : memref<8x16xi32, #tpu.memory_space<vmem>>, vector<16xi32>,
        %add3A_306 = arith.constant 12 : i32
        %add3A_307 = arith.addi %mul3A_28, %add3A_306 : i32
        %add3A_308 = vector.broadcast %add3A_307 : i32 to vector<16xi32>
        %add3A_309 = arith.addi %get3A_305, %add3A_308 : vector<16xi32>
        %gather3A_310 = tpu.vector_load_idx %arg8[%get3A_301, %add3A_309] : memref<23x384xi32, #tpu.memory_space<vmem>>[vector<16xi32>, vector<16xi32>], vector<16xi32>,
        %bitcast3A_311 = vector.bitcast %gather3A_310 : vector<16xi32> to vector<32xi16>
        %mul3A_312 = arith.constant 8 : i32
        %mul3A_313 = arith.muli %scan3A_26, %mul3A_312 : i32
        %add3A_314 = arith.constant 3 : i32
        %add3A_315 = arith.addi %mul3A_313, %add3A_314 : i32
        %swap3A_316 = arith.index_cast %add3A_315 : i32 to index
        %swap3A_317 = arith.constant 32 : index
        %swap3A_318 = tpu.vector_load %arg9[%swap3A_316, %swap3A_317] {strides = array<i32>} : memref<96x128xi16, #tpu.memory_space<vmem>>, vector<32xi16>,
        tpu.vector_store %arg9[%swap3A_316, %swap3A_317], %bitcast3A_311 {strides = array<i32>} : memref<96x128xi16, #tpu.memory_space<vmem>>, vector<32xi16>,
        %get3A_319 = arith.constant 2 : i32
        %get3A_320 = arith.index_cast %get3A_319 : i32 to index
        %get3A_321 = arith.constant 0 : index
        %get3A_322 = tpu.vector_load %arg7[%get3A_320, %get3A_321] {strides = array<i32>} : memref<8x16xi32, #tpu.memory_space<vmem>>, vector<16xi32>,
        %get3A_323 = arith.constant 6 : i32
        %get3A_324 = arith.index_cast %get3A_323 : i32 to index
        %get3A_325 = arith.constant 0 : index
        %get3A_326 = tpu.vector_load %arg7[%get3A_324, %get3A_325] {strides = array<i32>} : memref<8x16xi32, #tpu.memory_space<vmem>>, vector<16xi32>,
        %add3A_327 = arith.constant 12 : i32
        %add3A_328 = arith.addi %mul3A_28, %add3A_327 : i32
        %add3A_329 = vector.broadcast %add3A_328 : i32 to vector<16xi32>
        %add3A_330 = arith.addi %get3A_326, %add3A_329 : vector<16xi32>
        %gather3A_331 = tpu.vector_load_idx %arg8[%get3A_322, %add3A_330] : memref<23x384xi32, #tpu.memory_space<vmem>>[vector<16xi32>, vector<16xi32>], vector<16xi32>,
        %bitcast3A_332 = vector.bitcast %gather3A_331 : vector<16xi32> to vector<32xi16>
        %mul3A_333 = arith.constant 8 : i32
        %mul3A_334 = arith.muli %scan3A_26, %mul3A_333 : i32
        %add3A_335 = arith.constant 3 : i32
        %add3A_336 = arith.addi %mul3A_334, %add3A_335 : i32
        %swap3A_337 = arith.index_cast %add3A_336 : i32 to index
        %swap3A_338 = arith.constant 64 : index
        %swap3A_339 = tpu.vector_load %arg9[%swap3A_337, %swap3A_338] {strides = array<i32>} : memref<96x128xi16, #tpu.memory_space<vmem>>, vector<32xi16>,
        tpu.vector_store %arg9[%swap3A_337, %swap3A_338], %bitcast3A_332 {strides = array<i32>} : memref<96x128xi16, #tpu.memory_space<vmem>>, vector<32xi16>,
        %get3A_340 = arith.constant 3 : i32
        %get3A_341 = arith.index_cast %get3A_340 : i32 to index
        %get3A_342 = arith.constant 0 : index
        %get3A_343 = tpu.vector_load %arg7[%get3A_341, %get3A_342] {strides = array<i32>} : memref<8x16xi32, #tpu.memory_space<vmem>>, vector<16xi32>,
        %get3A_344 = arith.constant 7 : i32
        %get3A_345 = arith.index_cast %get3A_344 : i32 to index
        %get3A_346 = arith.constant 0 : index
        %get3A_347 = tpu.vector_load %arg7[%get3A_345, %get3A_346] {strides = array<i32>} : memref<8x16xi32, #tpu.memory_space<vmem>>, vector<16xi32>,
        %add3A_348 = arith.constant 12 : i32
        %add3A_349 = arith.addi %mul3A_28, %add3A_348 : i32
        %add3A_350 = vector.broadcast %add3A_349 : i32 to vector<16xi32>
        %add3A_351 = arith.addi %get3A_347, %add3A_350 : vector<16xi32>
        %gather3A_352 = tpu.vector_load_idx %arg8[%get3A_343, %add3A_351] : memref<23x384xi32, #tpu.memory_space<vmem>>[vector<16xi32>, vector<16xi32>], vector<16xi32>,
        %bitcast3A_353 = vector.bitcast %gather3A_352 : vector<16xi32> to vector<32xi16>
        %mul3A_354 = arith.constant 8 : i32
        %mul3A_355 = arith.muli %scan3A_26, %mul3A_354 : i32
        %add3A_356 = arith.constant 3 : i32
        %add3A_357 = arith.addi %mul3A_355, %add3A_356 : i32
        %swap3A_358 = arith.index_cast %add3A_357 : i32 to index
        %swap3A_359 = arith.constant 96 : index
        %swap3A_360 = tpu.vector_load %arg9[%swap3A_358, %swap3A_359] {strides = array<i32>} : memref<96x128xi16, #tpu.memory_space<vmem>>, vector<32xi16>,
        tpu.vector_store %arg9[%swap3A_358, %swap3A_359], %bitcast3A_353 {strides = array<i32>} : memref<96x128xi16, #tpu.memory_space<vmem>>, vector<32xi16>,
        %get3A_361 = arith.constant 0 : i32
        %get3A_362 = arith.index_cast %get3A_361 : i32 to index
        %get3A_363 = arith.constant 0 : index
        %get3A_364 = tpu.vector_load %arg7[%get3A_362, %get3A_363] {strides = array<i32>} : memref<8x16xi32, #tpu.memory_space<vmem>>, vector<16xi32>,
        %get3A_365 = arith.constant 4 : i32
        %get3A_366 = arith.index_cast %get3A_365 : i32 to index
        %get3A_367 = arith.constant 0 : index
        %get3A_368 = tpu.vector_load %arg7[%get3A_366, %get3A_367] {strides = array<i32>} : memref<8x16xi32, #tpu.memory_space<vmem>>, vector<16xi32>,
        %add3A_369 = arith.constant 16 : i32
        %add3A_370 = arith.addi %mul3A_28, %add3A_369 : i32
        %add3A_371 = vector.broadcast %add3A_370 : i32 to vector<16xi32>
        %add3A_372 = arith.addi %get3A_368, %add3A_371 : vector<16xi32>
        %gather3A_373 = tpu.vector_load_idx %arg8[%get3A_364, %add3A_372] : memref<23x384xi32, #tpu.memory_space<vmem>>[vector<16xi32>, vector<16xi32>], vector<16xi32>,
        %bitcast3A_374 = vector.bitcast %gather3A_373 : vector<16xi32> to vector<32xi16>
        %mul3A_375 = arith.constant 8 : i32
        %mul3A_376 = arith.muli %scan3A_26, %mul3A_375 : i32
        %add3A_377 = arith.constant 4 : i32
        %add3A_378 = arith.addi %mul3A_376, %add3A_377 : i32
        %swap3A_379 = arith.index_cast %add3A_378 : i32 to index
        %swap3A_380 = arith.constant 0 : index
        %swap3A_381 = tpu.vector_load %arg9[%swap3A_379, %swap3A_380] {strides = array<i32>} : memref<96x128xi16, #tpu.memory_space<vmem>>, vector<32xi16>,
        tpu.vector_store %arg9[%swap3A_379, %swap3A_380], %bitcast3A_374 {strides = array<i32>} : memref<96x128xi16, #tpu.memory_space<vmem>>, vector<32xi16>,
        %get3A_382 = arith.constant 1 : i32
        %get3A_383 = arith.index_cast %get3A_382 : i32 to index
        %get3A_384 = arith.constant 0 : index
        %get3A_385 = tpu.vector_load %arg7[%get3A_383, %get3A_384] {strides = array<i32>} : memref<8x16xi32, #tpu.memory_space<vmem>>, vector<16xi32>,
        %get3A_386 = arith.constant 5 : i32
        %get3A_387 = arith.index_cast %get3A_386 : i32 to index
        %get3A_388 = arith.constant 0 : index
        %get3A_389 = tpu.vector_load %arg7[%get3A_387, %get3A_388] {strides = array<i32>} : memref<8x16xi32, #tpu.memory_space<vmem>>, vector<16xi32>,
        %add3A_390 = arith.constant 16 : i32
        %add3A_391 = arith.addi %mul3A_28, %add3A_390 : i32
        %add3A_392 = vector.broadcast %add3A_391 : i32 to vector<16xi32>
        %add3A_393 = arith.addi %get3A_389, %add3A_392 : vector<16xi32>
        %gather3A_394 = tpu.vector_load_idx %arg8[%get3A_385, %add3A_393] : memref<23x384xi32, #tpu.memory_space<vmem>>[vector<16xi32>, vector<16xi32>], vector<16xi32>,
        %bitcast3A_395 = vector.bitcast %gather3A_394 : vector<16xi32> to vector<32xi16>
        %mul3A_396 = arith.constant 8 : i32
        %mul3A_397 = arith.muli %scan3A_26, %mul3A_396 : i32
        %add3A_398 = arith.constant 4 : i32
        %add3A_399 = arith.addi %mul3A_397, %add3A_398 : i32
        %swap3A_400 = arith.index_cast %add3A_399 : i32 to index
        %swap3A_401 = arith.constant 32 : index
        %swap3A_402 = tpu.vector_load %arg9[%swap3A_400, %swap3A_401] {strides = array<i32>} : memref<96x128xi16, #tpu.memory_space<vmem>>, vector<32xi16>,
        tpu.vector_store %arg9[%swap3A_400, %swap3A_401], %bitcast3A_395 {strides = array<i32>} : memref<96x128xi16, #tpu.memory_space<vmem>>, vector<32xi16>,
        %get3A_403 = arith.constant 2 : i32
        %get3A_404 = arith.index_cast %get3A_403 : i32 to index
        %get3A_405 = arith.constant 0 : index
        %get3A_406 = tpu.vector_load %arg7[%get3A_404, %get3A_405] {strides = array<i32>} : memref<8x16xi32, #tpu.memory_space<vmem>>, vector<16xi32>,
        %get3A_407 = arith.constant 6 : i32
        %get3A_408 = arith.index_cast %get3A_407 : i32 to index
        %get3A_409 = arith.constant 0 : index
        %get3A_410 = tpu.vector_load %arg7[%get3A_408, %get3A_409] {strides = array<i32>} : memref<8x16xi32, #tpu.memory_space<vmem>>, vector<16xi32>,
        %add3A_411 = arith.constant 16 : i32
        %add3A_412 = arith.addi %mul3A_28, %add3A_411 : i32
        %add3A_413 = vector.broadcast %add3A_412 : i32 to vector<16xi32>
        %add3A_414 = arith.addi %get3A_410, %add3A_413 : vector<16xi32>
        %gather3A_415 = tpu.vector_load_idx %arg8[%get3A_406, %add3A_414] : memref<23x384xi32, #tpu.memory_space<vmem>>[vector<16xi32>, vector<16xi32>], vector<16xi32>,
        %bitcast3A_416 = vector.bitcast %gather3A_415 : vector<16xi32> to vector<32xi16>
        %mul3A_417 = arith.constant 8 : i32
        %mul3A_418 = arith.muli %scan3A_26, %mul3A_417 : i32
        %add3A_419 = arith.constant 4 : i32
        %add3A_420 = arith.addi %mul3A_418, %add3A_419 : i32
        %swap3A_421 = arith.index_cast %add3A_420 : i32 to index
        %swap3A_422 = arith.constant 64 : index
        %swap3A_423 = tpu.vector_load %arg9[%swap3A_421, %swap3A_422] {strides = array<i32>} : memref<96x128xi16, #tpu.memory_space<vmem>>, vector<32xi16>,
        tpu.vector_store %arg9[%swap3A_421, %swap3A_422], %bitcast3A_416 {strides = array<i32>} : memref<96x128xi16, #tpu.memory_space<vmem>>, vector<32xi16>,
        %get3A_424 = arith.constant 3 : i32
        %get3A_425 = arith.index_cast %get3A_424 : i32 to index
        %get3A_426 = arith.constant 0 : index
        %get3A_427 = tpu.vector_load %arg7[%get3A_425, %get3A_426] {strides = array<i32>} : memref<8x16xi32, #tpu.memory_space<vmem>>, vector<16xi32>,
        %get3A_428 = arith.constant 7 : i32
        %get3A_429 = arith.index_cast %get3A_428 : i32 to index
        %get3A_430 = arith.constant 0 : index
        %get3A_431 = tpu.vector_load %arg7[%get3A_429, %get3A_430] {strides = array<i32>} : memref<8x16xi32, #tpu.memory_space<vmem>>, vector<16xi32>,
        %add3A_432 = arith.constant 16 : i32
        %add3A_433 = arith.addi %mul3A_28, %add3A_432 : i32
        %add3A_434 = vector.broadcast %add3A_433 : i32 to vector<16xi32>
        %add3A_435 = arith.addi %get3A_431, %add3A_434 : vector<16xi32>
        %gather3A_436 = tpu.vector_load_idx %arg8[%get3A_427, %add3A_435] : memref<23x384xi32, #tpu.memory_space<vmem>>[vector<16xi32>, vector<16xi32>], vector<16xi32>,
        %bitcast3A_437 = vector.bitcast %gather3A_436 : vector<16xi32> to vector<32xi16>
        %mul3A_438 = arith.constant 8 : i32
        %mul3A_439 = arith.muli %scan3A_26, %mul3A_438 : i32
        %add3A_440 = arith.constant 4 : i32
        %add3A_441 = arith.addi %mul3A_439, %add3A_440 : i32
        %swap3A_442 = arith.index_cast %add3A_441 : i32 to index
        %swap3A_443 = arith.constant 96 : index
        %swap3A_444 = tpu.vector_load %arg9[%swap3A_442, %swap3A_443] {strides = array<i32>} : memref<96x128xi16, #tpu.memory_space<vmem>>, vector<32xi16>,
        tpu.vector_store %arg9[%swap3A_442, %swap3A_443], %bitcast3A_437 {strides = array<i32>} : memref<96x128xi16, #tpu.memory_space<vmem>>, vector<32xi16>,
        %get3A_445 = arith.constant 0 : i32
        %get3A_446 = arith.index_cast %get3A_445 : i32 to index
        %get3A_447 = arith.constant 0 : index
        %get3A_448 = tpu.vector_load %arg7[%get3A_446, %get3A_447] {strides = array<i32>} : memref<8x16xi32, #tpu.memory_space<vmem>>, vector<16xi32>,
        %get3A_449 = arith.constant 4 : i32
        %get3A_450 = arith.index_cast %get3A_449 : i32 to index
        %get3A_451 = arith.constant 0 : index
        %get3A_452 = tpu.vector_load %arg7[%get3A_450, %get3A_451] {strides = array<i32>} : memref<8x16xi32, #tpu.memory_space<vmem>>, vector<16xi32>,
        %add3A_453 = arith.constant 20 : i32
        %add3A_454 = arith.addi %mul3A_28, %add3A_453 : i32
        %add3A_455 = vector.broadcast %add3A_454 : i32 to vector<16xi32>
        %add3A_456 = arith.addi %get3A_452, %add3A_455 : vector<16xi32>
        %gather3A_457 = tpu.vector_load_idx %arg8[%get3A_448, %add3A_456] : memref<23x384xi32, #tpu.memory_space<vmem>>[vector<16xi32>, vector<16xi32>], vector<16xi32>,
        %bitcast3A_458 = vector.bitcast %gather3A_457 : vector<16xi32> to vector<32xi16>
        %mul3A_459 = arith.constant 8 : i32
        %mul3A_460 = arith.muli %scan3A_26, %mul3A_459 : i32
        %add3A_461 = arith.constant 5 : i32
        %add3A_462 = arith.addi %mul3A_460, %add3A_461 : i32
        %swap3A_463 = arith.index_cast %add3A_462 : i32 to index
        %swap3A_464 = arith.constant 0 : index
        %swap3A_465 = tpu.vector_load %arg9[%swap3A_463, %swap3A_464] {strides = array<i32>} : memref<96x128xi16, #tpu.memory_space<vmem>>, vector<32xi16>,
        tpu.vector_store %arg9[%swap3A_463, %swap3A_464], %bitcast3A_458 {strides = array<i32>} : memref<96x128xi16, #tpu.memory_space<vmem>>, vector<32xi16>,
        %get3A_466 = arith.constant 1 : i32
        %get3A_467 = arith.index_cast %get3A_466 : i32 to index
        %get3A_468 = arith.constant 0 : index
        %get3A_469 = tpu.vector_load %arg7[%get3A_467, %get3A_468] {strides = array<i32>} : memref<8x16xi32, #tpu.memory_space<vmem>>, vector<16xi32>,
        %get3A_470 = arith.constant 5 : i32
        %get3A_471 = arith.index_cast %get3A_470 : i32 to index
        %get3A_472 = arith.constant 0 : index
        %get3A_473 = tpu.vector_load %arg7[%get3A_471, %get3A_472] {strides = array<i32>} : memref<8x16xi32, #tpu.memory_space<vmem>>, vector<16xi32>,
        %add3A_474 = arith.constant 20 : i32
        %add3A_475 = arith.addi %mul3A_28, %add3A_474 : i32
        %add3A_476 = vector.broadcast %add3A_475 : i32 to vector<16xi32>
        %add3A_477 = arith.addi %get3A_473, %add3A_476 : vector<16xi32>
        %gather3A_478 = tpu.vector_load_idx %arg8[%get3A_469, %add3A_477] : memref<23x384xi32, #tpu.memory_space<vmem>>[vector<16xi32>, vector<16xi32>], vector<16xi32>,
        %bitcast3A_479 = vector.bitcast %gather3A_478 : vector<16xi32> to vector<32xi16>
        %mul3A_480 = arith.constant 8 : i32
        %mul3A_481 = arith.muli %scan3A_26, %mul3A_480 : i32
        %add3A_482 = arith.constant 5 : i32
        %add3A_483 = arith.addi %mul3A_481, %add3A_482 : i32
        %swap3A_484 = arith.index_cast %add3A_483 : i32 to index
        %swap3A_485 = arith.constant 32 : index
        %swap3A_486 = tpu.vector_load %arg9[%swap3A_484, %swap3A_485] {strides = array<i32>} : memref<96x128xi16, #tpu.memory_space<vmem>>, vector<32xi16>,
        tpu.vector_store %arg9[%swap3A_484, %swap3A_485], %bitcast3A_479 {strides = array<i32>} : memref<96x128xi16, #tpu.memory_space<vmem>>, vector<32xi16>,
        %get3A_487 = arith.constant 2 : i32
        %get3A_488 = arith.index_cast %get3A_487 : i32 to index
        %get3A_489 = arith.constant 0 : index
        %get3A_490 = tpu.vector_load %arg7[%get3A_488, %get3A_489] {strides = array<i32>} : memref<8x16xi32, #tpu.memory_space<vmem>>, vector<16xi32>,
        %get3A_491 = arith.constant 6 : i32
        %get3A_492 = arith.index_cast %get3A_491 : i32 to index
        %get3A_493 = arith.constant 0 : index
        %get3A_494 = tpu.vector_load %arg7[%get3A_492, %get3A_493] {strides = array<i32>} : memref<8x16xi32, #tpu.memory_space<vmem>>, vector<16xi32>,
        %add3A_495 = arith.constant 20 : i32
        %add3A_496 = arith.addi %mul3A_28, %add3A_495 : i32
        %add3A_497 = vector.broadcast %add3A_496 : i32 to vector<16xi32>
        %add3A_498 = arith.addi %get3A_494, %add3A_497 : vector<16xi32>
        %gather3A_499 = tpu.vector_load_idx %arg8[%get3A_490, %add3A_498] : memref<23x384xi32, #tpu.memory_space<vmem>>[vector<16xi32>, vector<16xi32>], vector<16xi32>,
        %bitcast3A_500 = vector.bitcast %gather3A_499 : vector<16xi32> to vector<32xi16>
        %mul3A_501 = arith.constant 8 : i32
        %mul3A_502 = arith.muli %scan3A_26, %mul3A_501 : i32
        %add3A_503 = arith.constant 5 : i32
        %add3A_504 = arith.addi %mul3A_502, %add3A_503 : i32
        %swap3A_505 = arith.index_cast %add3A_504 : i32 to index
        %swap3A_506 = arith.constant 64 : index
        %swap3A_507 = tpu.vector_load %arg9[%swap3A_505, %swap3A_506] {strides = array<i32>} : memref<96x128xi16, #tpu.memory_space<vmem>>, vector<32xi16>,
        tpu.vector_store %arg9[%swap3A_505, %swap3A_506], %bitcast3A_500 {strides = array<i32>} : memref<96x128xi16, #tpu.memory_space<vmem>>, vector<32xi16>,
        %get3A_508 = arith.constant 3 : i32
        %get3A_509 = arith.index_cast %get3A_508 : i32 to index
        %get3A_510 = arith.constant 0 : index
        %get3A_511 = tpu.vector_load %arg7[%get3A_509, %get3A_510] {strides = array<i32>} : memref<8x16xi32, #tpu.memory_space<vmem>>, vector<16xi32>,
        %get3A_512 = arith.constant 7 : i32
        %get3A_513 = arith.index_cast %get3A_512 : i32 to index
        %get3A_514 = arith.constant 0 : index
        %get3A_515 = tpu.vector_load %arg7[%get3A_513, %get3A_514] {strides = array<i32>} : memref<8x16xi32, #tpu.memory_space<vmem>>, vector<16xi32>,
        %add3A_516 = arith.constant 20 : i32
        %add3A_517 = arith.addi %mul3A_28, %add3A_516 : i32
        %add3A_518 = vector.broadcast %add3A_517 : i32 to vector<16xi32>
        %add3A_519 = arith.addi %get3A_515, %add3A_518 : vector<16xi32>
        %gather3A_520 = tpu.vector_load_idx %arg8[%get3A_511, %add3A_519] : memref<23x384xi32, #tpu.memory_space<vmem>>[vector<16xi32>, vector<16xi32>], vector<16xi32>,
        %bitcast3A_521 = vector.bitcast %gather3A_520 : vector<16xi32> to vector<32xi16>
        %mul3A_522 = arith.constant 8 : i32
        %mul3A_523 = arith.muli %scan3A_26, %mul3A_522 : i32
        %add3A_524 = arith.constant 5 : i32
        %add3A_525 = arith.addi %mul3A_523, %add3A_524 : i32
        %swap3A_526 = arith.index_cast %add3A_525 : i32 to index
        %swap3A_527 = arith.constant 96 : index
        %swap3A_528 = tpu.vector_load %arg9[%swap3A_526, %swap3A_527] {strides = array<i32>} : memref<96x128xi16, #tpu.memory_space<vmem>>, vector<32xi16>,
        tpu.vector_store %arg9[%swap3A_526, %swap3A_527], %bitcast3A_521 {strides = array<i32>} : memref<96x128xi16, #tpu.memory_space<vmem>>, vector<32xi16>,
        %get3A_529 = arith.constant 0 : i32
        %get3A_530 = arith.index_cast %get3A_529 : i32 to index
        %get3A_531 = arith.constant 0 : index
        %get3A_532 = tpu.vector_load %arg7[%get3A_530, %get3A_531] {strides = array<i32>} : memref<8x16xi32, #tpu.memory_space<vmem>>, vector<16xi32>,
        %get3A_533 = arith.constant 4 : i32
        %get3A_534 = arith.index_cast %get3A_533 : i32 to index
        %get3A_535 = arith.constant 0 : index
        %get3A_536 = tpu.vector_load %arg7[%get3A_534, %get3A_535] {strides = array<i32>} : memref<8x16xi32, #tpu.memory_space<vmem>>, vector<16xi32>,
        %add3A_537 = arith.constant 24 : i32
        %add3A_538 = arith.addi %mul3A_28, %add3A_537 : i32
        %add3A_539 = vector.broadcast %add3A_538 : i32 to vector<16xi32>
        %add3A_540 = arith.addi %get3A_536, %add3A_539 : vector<16xi32>
        %gather3A_541 = tpu.vector_load_idx %arg8[%get3A_532, %add3A_540] : memref<23x384xi32, #tpu.memory_space<vmem>>[vector<16xi32>, vector<16xi32>], vector<16xi32>,
        %bitcast3A_542 = vector.bitcast %gather3A_541 : vector<16xi32> to vector<32xi16>
        %mul3A_543 = arith.constant 8 : i32
        %mul3A_544 = arith.muli %scan3A_26, %mul3A_543 : i32
        %add3A_545 = arith.constant 6 : i32
        %add3A_546 = arith.addi %mul3A_544, %add3A_545 : i32
        %swap3A_547 = arith.index_cast %add3A_546 : i32 to index
        %swap3A_548 = arith.constant 0 : index
        %swap3A_549 = tpu.vector_load %arg9[%swap3A_547, %swap3A_548] {strides = array<i32>} : memref<96x128xi16, #tpu.memory_space<vmem>>, vector<32xi16>,
        tpu.vector_store %arg9[%swap3A_547, %swap3A_548], %bitcast3A_542 {strides = array<i32>} : memref<96x128xi16, #tpu.memory_space<vmem>>, vector<32xi16>,
        %get3A_550 = arith.constant 1 : i32
        %get3A_551 = arith.index_cast %get3A_550 : i32 to index
        %get3A_552 = arith.constant 0 : index
        %get3A_553 = tpu.vector_load %arg7[%get3A_551, %get3A_552] {strides = array<i32>} : memref<8x16xi32, #tpu.memory_space<vmem>>, vector<16xi32>,
        %get3A_554 = arith.constant 5 : i32
        %get3A_555 = arith.index_cast %get3A_554 : i32 to index
        %get3A_556 = arith.constant 0 : index
        %get3A_557 = tpu.vector_load %arg7[%get3A_555, %get3A_556] {strides = array<i32>} : memref<8x16xi32, #tpu.memory_space<vmem>>, vector<16xi32>,
        %add3A_558 = arith.constant 24 : i32
        %add3A_559 = arith.addi %mul3A_28, %add3A_558 : i32
        %add3A_560 = vector.broadcast %add3A_559 : i32 to vector<16xi32>
        %add3A_561 = arith.addi %get3A_557, %add3A_560 : vector<16xi32>
        %gather3A_562 = tpu.vector_load_idx %arg8[%get3A_553, %add3A_561] : memref<23x384xi32, #tpu.memory_space<vmem>>[vector<16xi32>, vector<16xi32>], vector<16xi32>,
        %bitcast3A_563 = vector.bitcast %gather3A_562 : vector<16xi32> to vector<32xi16>
        %mul3A_564 = arith.constant 8 : i32
        %mul3A_565 = arith.muli %scan3A_26, %mul3A_564 : i32
        %add3A_566 = arith.constant 6 : i32
        %add3A_567 = arith.addi %mul3A_565, %add3A_566 : i32
        %swap3A_568 = arith.index_cast %add3A_567 : i32 to index
        %swap3A_569 = arith.constant 32 : index
        %swap3A_570 = tpu.vector_load %arg9[%swap3A_568, %swap3A_569] {strides = array<i32>} : memref<96x128xi16, #tpu.memory_space<vmem>>, vector<32xi16>,
        tpu.vector_store %arg9[%swap3A_568, %swap3A_569], %bitcast3A_563 {strides = array<i32>} : memref<96x128xi16, #tpu.memory_space<vmem>>, vector<32xi16>,
        %get3A_571 = arith.constant 2 : i32
        %get3A_572 = arith.index_cast %get3A_571 : i32 to index
        %get3A_573 = arith.constant 0 : index
        %get3A_574 = tpu.vector_load %arg7[%get3A_572, %get3A_573] {strides = array<i32>} : memref<8x16xi32, #tpu.memory_space<vmem>>, vector<16xi32>,
        %get3A_575 = arith.constant 6 : i32
        %get3A_576 = arith.index_cast %get3A_575 : i32 to index
        %get3A_577 = arith.constant 0 : index
        %get3A_578 = tpu.vector_load %arg7[%get3A_576, %get3A_577] {strides = array<i32>} : memref<8x16xi32, #tpu.memory_space<vmem>>, vector<16xi32>,
        %add3A_579 = arith.constant 24 : i32
        %add3A_580 = arith.addi %mul3A_28, %add3A_579 : i32
        %add3A_581 = vector.broadcast %add3A_580 : i32 to vector<16xi32>
        %add3A_582 = arith.addi %get3A_578, %add3A_581 : vector<16xi32>
        %gather3A_583 = tpu.vector_load_idx %arg8[%get3A_574, %add3A_582] : memref<23x384xi32, #tpu.memory_space<vmem>>[vector<16xi32>, vector<16xi32>], vector<16xi32>,
        %bitcast3A_584 = vector.bitcast %gather3A_583 : vector<16xi32> to vector<32xi16>
        %mul3A_585 = arith.constant 8 : i32
        %mul3A_586 = arith.muli %scan3A_26, %mul3A_585 : i32
        %add3A_587 = arith.constant 6 : i32
        %add3A_588 = arith.addi %mul3A_586, %add3A_587 : i32
        %swap3A_589 = arith.index_cast %add3A_588 : i32 to index
        %swap3A_590 = arith.constant 64 : index
        %swap3A_591 = tpu.vector_load %arg9[%swap3A_589, %swap3A_590] {strides = array<i32>} : memref<96x128xi16, #tpu.memory_space<vmem>>, vector<32xi16>,
        tpu.vector_store %arg9[%swap3A_589, %swap3A_590], %bitcast3A_584 {strides = array<i32>} : memref<96x128xi16, #tpu.memory_space<vmem>>, vector<32xi16>,
        %get3A_592 = arith.constant 3 : i32
        %get3A_593 = arith.index_cast %get3A_592 : i32 to index
        %get3A_594 = arith.constant 0 : index
        %get3A_595 = tpu.vector_load %arg7[%get3A_593, %get3A_594] {strides = array<i32>} : memref<8x16xi32, #tpu.memory_space<vmem>>, vector<16xi32>,
        %get3A_596 = arith.constant 7 : i32
        %get3A_597 = arith.index_cast %get3A_596 : i32 to index
        %get3A_598 = arith.constant 0 : index
        %get3A_599 = tpu.vector_load %arg7[%get3A_597, %get3A_598] {strides = array<i32>} : memref<8x16xi32, #tpu.memory_space<vmem>>, vector<16xi32>,
        %add3A_600 = arith.constant 24 : i32
        %add3A_601 = arith.addi %mul3A_28, %add3A_600 : i32
        %add3A_602 = vector.broadcast %add3A_601 : i32 to vector<16xi32>
        %add3A_603 = arith.addi %get3A_599, %add3A_602 : vector<16xi32>
        %gather3A_604 = tpu.vector_load_idx %arg8[%get3A_595, %add3A_603] : memref<23x384xi32, #tpu.memory_space<vmem>>[vector<16xi32>, vector<16xi32>], vector<16xi32>,
        %bitcast3A_605 = vector.bitcast %gather3A_604 : vector<16xi32> to vector<32xi16>
        %mul3A_606 = arith.constant 8 : i32
        %mul3A_607 = arith.muli %scan3A_26, %mul3A_606 : i32
        %add3A_608 = arith.constant 6 : i32
        %add3A_609 = arith.addi %mul3A_607, %add3A_608 : i32
        %swap3A_610 = arith.index_cast %add3A_609 : i32 to index
        %swap3A_611 = arith.constant 96 : index
        %swap3A_612 = tpu.vector_load %arg9[%swap3A_610, %swap3A_611] {strides = array<i32>} : memref<96x128xi16, #tpu.memory_space<vmem>>, vector<32xi16>,
        tpu.vector_store %arg9[%swap3A_610, %swap3A_611], %bitcast3A_605 {strides = array<i32>} : memref<96x128xi16, #tpu.memory_space<vmem>>, vector<32xi16>,
        %get3A_613 = arith.constant 0 : i32
        %get3A_614 = arith.index_cast %get3A_613 : i32 to index
        %get3A_615 = arith.constant 0 : index
        %get3A_616 = tpu.vector_load %arg7[%get3A_614, %get3A_615] {strides = array<i32>} : memref<8x16xi32, #tpu.memory_space<vmem>>, vector<16xi32>,
        %get3A_617 = arith.constant 4 : i32
        %get3A_618 = arith.index_cast %get3A_617 : i32 to index
        %get3A_619 = arith.constant 0 : index
        %get3A_620 = tpu.vector_load %arg7[%get3A_618, %get3A_619] {strides = array<i32>} : memref<8x16xi32, #tpu.memory_space<vmem>>, vector<16xi32>,
        %add3A_621 = arith.constant 28 : i32
        %add3A_622 = arith.addi %mul3A_28, %add3A_621 : i32
        %add3A_623 = vector.broadcast %add3A_622 : i32 to vector<16xi32>
        %add3A_624 = arith.addi %get3A_620, %add3A_623 : vector<16xi32>
        %gather3A_625 = tpu.vector_load_idx %arg8[%get3A_616, %add3A_624] : memref<23x384xi32, #tpu.memory_space<vmem>>[vector<16xi32>, vector<16xi32>], vector<16xi32>,
        %bitcast3A_626 = vector.bitcast %gather3A_625 : vector<16xi32> to vector<32xi16>
        %mul3A_627 = arith.constant 8 : i32
        %mul3A_628 = arith.muli %scan3A_26, %mul3A_627 : i32
        %add3A_629 = arith.constant 7 : i32
        %add3A_630 = arith.addi %mul3A_628, %add3A_629 : i32
        %swap3A_631 = arith.index_cast %add3A_630 : i32 to index
        %swap3A_632 = arith.constant 0 : index
        %swap3A_633 = tpu.vector_load %arg9[%swap3A_631, %swap3A_632] {strides = array<i32>} : memref<96x128xi16, #tpu.memory_space<vmem>>, vector<32xi16>,
        tpu.vector_store %arg9[%swap3A_631, %swap3A_632], %bitcast3A_626 {strides = array<i32>} : memref<96x128xi16, #tpu.memory_space<vmem>>, vector<32xi16>,
        %get3A_634 = arith.constant 1 : i32
        %get3A_635 = arith.index_cast %get3A_634 : i32 to index
        %get3A_636 = arith.constant 0 : index
        %get3A_637 = tpu.vector_load %arg7[%get3A_635, %get3A_636] {strides = array<i32>} : memref<8x16xi32, #tpu.memory_space<vmem>>, vector<16xi32>,
        %get3A_638 = arith.constant 5 : i32
        %get3A_639 = arith.index_cast %get3A_638 : i32 to index
        %get3A_640 = arith.constant 0 : index
        %get3A_641 = tpu.vector_load %arg7[%get3A_639, %get3A_640] {strides = array<i32>} : memref<8x16xi32, #tpu.memory_space<vmem>>, vector<16xi32>,
        %add3A_642 = arith.constant 28 : i32
        %add3A_643 = arith.addi %mul3A_28, %add3A_642 : i32
        %add3A_644 = vector.broadcast %add3A_643 : i32 to vector<16xi32>
        %add3A_645 = arith.addi %get3A_641, %add3A_644 : vector<16xi32>
        %gather3A_646 = tpu.vector_load_idx %arg8[%get3A_637, %add3A_645] : memref<23x384xi32, #tpu.memory_space<vmem>>[vector<16xi32>, vector<16xi32>], vector<16xi32>,
        %bitcast3A_647 = vector.bitcast %gather3A_646 : vector<16xi32> to vector<32xi16>
        %mul3A_648 = arith.constant 8 : i32
        %mul3A_649 = arith.muli %scan3A_26, %mul3A_648 : i32
        %add3A_650 = arith.constant 7 : i32
        %add3A_651 = arith.addi %mul3A_649, %add3A_650 : i32
        %swap3A_652 = arith.index_cast %add3A_651 : i32 to index
        %swap3A_653 = arith.constant 32 : index
        %swap3A_654 = tpu.vector_load %arg9[%swap3A_652, %swap3A_653] {strides = array<i32>} : memref<96x128xi16, #tpu.memory_space<vmem>>, vector<32xi16>,
        tpu.vector_store %arg9[%swap3A_652, %swap3A_653], %bitcast3A_647 {strides = array<i32>} : memref<96x128xi16, #tpu.memory_space<vmem>>, vector<32xi16>,
        %get3A_655 = arith.constant 2 : i32
        %get3A_656 = arith.index_cast %get3A_655 : i32 to index
        %get3A_657 = arith.constant 0 : index
        %get3A_658 = tpu.vector_load %arg7[%get3A_656, %get3A_657] {strides = array<i32>} : memref<8x16xi32, #tpu.memory_space<vmem>>, vector<16xi32>,
        %get3A_659 = arith.constant 6 : i32
        %get3A_660 = arith.index_cast %get3A_659 : i32 to index
        %get3A_661 = arith.constant 0 : index
        %get3A_662 = tpu.vector_load %arg7[%get3A_660, %get3A_661] {strides = array<i32>} : memref<8x16xi32, #tpu.memory_space<vmem>>, vector<16xi32>,
        %add3A_663 = arith.constant 28 : i32
        %add3A_664 = arith.addi %mul3A_28, %add3A_663 : i32
        %add3A_665 = vector.broadcast %add3A_664 : i32 to vector<16xi32>
        %add3A_666 = arith.addi %get3A_662, %add3A_665 : vector<16xi32>
        %gather3A_667 = tpu.vector_load_idx %arg8[%get3A_658, %add3A_666] : memref<23x384xi32, #tpu.memory_space<vmem>>[vector<16xi32>, vector<16xi32>], vector<16xi32>,
        %bitcast3A_668 = vector.bitcast %gather3A_667 : vector<16xi32> to vector<32xi16>
        %mul3A_669 = arith.constant 8 : i32
        %mul3A_670 = arith.muli %scan3A_26, %mul3A_669 : i32
        %add3A_671 = arith.constant 7 : i32
        %add3A_672 = arith.addi %mul3A_670, %add3A_671 : i32
        %swap3A_673 = arith.index_cast %add3A_672 : i32 to index
        %swap3A_674 = arith.constant 64 : index
        %swap3A_675 = tpu.vector_load %arg9[%swap3A_673, %swap3A_674] {strides = array<i32>} : memref<96x128xi16, #tpu.memory_space<vmem>>, vector<32xi16>,
        tpu.vector_store %arg9[%swap3A_673, %swap3A_674], %bitcast3A_668 {strides = array<i32>} : memref<96x128xi16, #tpu.memory_space<vmem>>, vector<32xi16>,
        %get3A_676 = arith.constant 3 : i32
        %get3A_677 = arith.index_cast %get3A_676 : i32 to index
        %get3A_678 = arith.constant 0 : index
        %get3A_679 = tpu.vector_load %arg7[%get3A_677, %get3A_678] {strides = array<i32>} : memref<8x16xi32, #tpu.memory_space<vmem>>, vector<16xi32>,
        %get3A_680 = arith.constant 7 : i32
        %get3A_681 = arith.index_cast %get3A_680 : i32 to index
        %get3A_682 = arith.constant 0 : index
        %get3A_683 = tpu.vector_load %arg7[%get3A_681, %get3A_682] {strides = array<i32>} : memref<8x16xi32, #tpu.memory_space<vmem>>, vector<16xi32>,
        %add3A_684 = arith.constant 28 : i32
        %add3A_685 = arith.addi %mul3A_28, %add3A_684 : i32
        %add3A_686 = vector.broadcast %add3A_685 : i32 to vector<16xi32>
        %add3A_687 = arith.addi %get3A_683, %add3A_686 : vector<16xi32>
        %gather3A_688 = tpu.vector_load_idx %arg8[%get3A_679, %add3A_687] : memref<23x384xi32, #tpu.memory_space<vmem>>[vector<16xi32>, vector<16xi32>], vector<16xi32>,
        %bitcast3A_689 = vector.bitcast %gather3A_688 : vector<16xi32> to vector<32xi16>
        %mul3A_690 = arith.constant 8 : i32
        %mul3A_691 = arith.muli %scan3A_26, %mul3A_690 : i32
        %add3A_692 = arith.constant 7 : i32
        %add3A_693 = arith.addi %mul3A_691, %add3A_692 : i32
        %swap3A_694 = arith.index_cast %add3A_693 : i32 to index
        %swap3A_695 = arith.constant 96 : index
        %swap3A_696 = tpu.vector_load %arg9[%swap3A_694, %swap3A_695] {strides = array<i32>} : memref<96x128xi16, #tpu.memory_space<vmem>>, vector<32xi16>,
        tpu.vector_store %arg9[%swap3A_694, %swap3A_695], %bitcast3A_689 {strides = array<i32>} : memref<96x128xi16, #tpu.memory_space<vmem>>, vector<32xi16>,
      }
      %scan3A_24 = arith.constant 12 : i32
      %add3A_25 = arith.addi %mul3A_2, %scan3A_8 : i32
      "tpu.region"() ({
        %run_scoped3A = tpu.sem_alloc : memref<!tpu.dma_semaphore, #tpu.memory_space<semaphore_mem>>
        %dma_start3A_26 = arith.constant 0 : i32
        %dma_start3A_27 = arith.constant 0 : i32
        %dma_start3A_28 = tpu.memref_slice %arg5[%add3A_25, %dma_start3A_26, %dma_start3A_27] : memref<1024x96x128xi16, #tpu.memory_space<hbm>> -> memref<1x96x128xi16, #tpu.memory_space<hbm>>
        %dma_start3A_29 = tpu.memref_squeeze %dma_start3A_28 : memref<1x96x128xi16, #tpu.memory_space<hbm>> -> memref<96x128xi16, #tpu.memory_space<hbm>>
        %dma_start3A_30 = arith.constant 0 : i32
        %dma_start3A_31 = arith.constant 0 : i32
        %dma_start3A_32 = tpu.memref_slice %arg5[%add3A_25, %dma_start3A_30, %dma_start3A_31] : memref<1024x96x128xi16, #tpu.memory_space<hbm>> -> memref<1x96x128xi16, #tpu.memory_space<hbm>>
        %dma_start3A_33 = tpu.memref_squeeze %dma_start3A_32 : memref<1x96x128xi16, #tpu.memory_space<hbm>> -> memref<96x128xi16, #tpu.memory_space<hbm>>
        tpu.enqueue_dma source(%arg9 : memref<96x128xi16, #tpu.memory_space<vmem>>) target(%dma_start3A_33 : memref<96x128xi16, #tpu.memory_space<hbm>>) target_semaphore(%run_scoped3A : memref<!tpu.dma_semaphore, #tpu.memory_space<semaphore_mem>>)
        %dma_wait3A_34 = arith.constant 0 : i32
        %dma_wait3A_35 = arith.constant 0 : i32
        %dma_wait3A_36 = tpu.memref_slice %arg5[%add3A_25, %dma_wait3A_34, %dma_wait3A_35] : memref<1024x96x128xi16, #tpu.memory_space<hbm>> -> memref<1x96x128xi16, #tpu.memory_space<hbm>>
        %dma_wait3A_37 = tpu.memref_squeeze %dma_wait3A_36 : memref<1x96x128xi16, #tpu.memory_space<hbm>> -> memref<96x128xi16, #tpu.memory_space<hbm>>
        %dma_wait3A_38 = arith.constant 0 : i32
        %dma_wait3A_39 = arith.constant 0 : i32
        %dma_wait3A_40 = tpu.memref_slice %arg5[%add3A_25, %dma_wait3A_38, %dma_wait3A_39] : memref<1024x96x128xi16, #tpu.memory_space<hbm>> -> memref<1x96x128xi16, #tpu.memory_space<hbm>>
        %dma_wait3A_41 = tpu.memref_squeeze %dma_wait3A_40 : memref<1x96x128xi16, #tpu.memory_space<hbm>> -> memref<96x128xi16, #tpu.memory_space<hbm>>
        tpu.wait_dma2 semaphore(%run_scoped3A : memref<!tpu.dma_semaphore, #tpu.memory_space<semaphore_mem>>) src(%arg9 : memref<96x128xi16, #tpu.memory_space<vmem>>) dst(%dma_wait3A_41 : memref<96x128xi16, #tpu.memory_space<hbm>>)
        tpu.yield
      }) : () -> ()
    }
    %scan3A_7 = arith.constant 32 : i32
    return
  }
}

module attributes {stable_mosaic.version = 14 : i64} {
  func.func @_decode_body(%arg0: memref<1024x512xi32, #tpu.memory_space<vmem>>, %arg1: memref<512x23xf32, #tpu.memory_space<vmem>>, %arg2: memref<23x128xf32, #tpu.memory_space<vmem>>, %arg3: memref<1024x23xi32, #tpu.memory_space<vmem>>, %arg4: memref<1024x128xf32, #tpu.memory_space<vmem>>) attributes {dimension_semantics = [], scalar_prefetch = 0 : i64, scratch_operands = 0 : i64, tpu.core_type = #tpu.core_type<tc>} {
    %get3A = arith.constant 0 : index
    %get3A_0 = arith.constant 0 : index
    %get3A_1 = vector.load %arg0[%get3A, %get3A_0] : memref<1024x512xi32, #tpu.memory_space<vmem>>, vector<1024x512xi32>
    %convert_element_type3A = arith.sitofp %get3A_1 : vector<1024x512xi32> to vector<1024x512xf32>
    %get3A_2 = arith.constant 0 : index
    %get3A_3 = arith.constant 0 : index
    %get3A_4 = vector.load %arg1[%get3A_2, %get3A_3] : memref<512x23xf32, #tpu.memory_space<vmem>>, vector<512x23xf32>
    %dot_general3A = arith.constant dense<0.000000e+00> : vector<1024x23xf32>
    %dot_general3A_5 = tpu.matmul %convert_element_type3A, %get3A_4, %dot_general3A {dimension_numbers = #tpu.dot_dimension_numbers<[1], [0], [0], [1], [0, 0, 1, 1], [], []>, transpose_lhs_hint = false} : vector<1024x512xf32>, vector<512x23xf32>, vector<1024x23xf32> -> vector<1024x23xf32>
    %convert_element_type3A_6 = arith.fptosi %dot_general3A_5 : vector<1024x23xf32> to vector<1024x23xi32>
    %and3A = arith.constant 131071 : i32
    %and3A_7 = vector.broadcast %and3A : i32 to vector<1024x23xi32>
    %and3A_8 = arith.andi %convert_element_type3A_6, %and3A_7 : vector<1024x23xi32>
    %swap3A = arith.constant 0 : index
    %swap3A_9 = arith.constant 0 : index
    %swap3A_10 = vector.load %arg3[%swap3A, %swap3A_9] : memref<1024x23xi32, #tpu.memory_space<vmem>>, vector<1024x23xi32>
    tpu.vector_store %arg3[%swap3A, %swap3A_9], %and3A_8 {strides = array<i32>} : memref<1024x23xi32, #tpu.memory_space<vmem>>, vector<1024x23xi32>,
    %gt3A = arith.constant 1.310720e+05 : f32
    %gt3A_11 = vector.broadcast %gt3A : f32 to vector<1024x23xf32>
    %gt3A_12 = arith.cmpf ogt, %dot_general3A_5, %gt3A_11 : vector<1024x23xf32>
    %jit3A = arith.constant -1.000000e+00 : f32
    %jit3A_13 = arith.constant 1.000000e+00 : f32
    %broadcast_in_dim3A = vector.broadcast %jit3A : f32 to vector<1024x23xf32>
    %broadcast_in_dim3A_14 = vector.broadcast %jit3A_13 : f32 to vector<1024x23xf32>
    %select_n3A = arith.select %gt3A_12, %broadcast_in_dim3A, %broadcast_in_dim3A_14 : vector<1024x23xi1>, vector<1024x23xf32>
    %get3A_15 = arith.constant 0 : index
    %get3A_16 = arith.constant 0 : index
    %get3A_17 = vector.load %arg2[%get3A_15, %get3A_16] : memref<23x128xf32, #tpu.memory_space<vmem>>, vector<23x128xf32>
    %dot_general3A_18 = arith.constant dense<0.000000e+00> : vector<1024x128xf32>
    %dot_general3A_19 = tpu.matmul %select_n3A, %get3A_17, %dot_general3A_18 {dimension_numbers = #tpu.dot_dimension_numbers<[1], [0], [0], [1], [0, 0, 1, 1], [], []>, transpose_lhs_hint = false} : vector<1024x23xf32>, vector<23x128xf32>, vector<1024x128xf32> -> vector<1024x128xf32>
    %swap3A_20 = arith.constant 0 : index
    %swap3A_21 = arith.constant 0 : index
    %swap3A_22 = vector.load %arg4[%swap3A_20, %swap3A_21] : memref<1024x128xf32, #tpu.memory_space<vmem>>, vector<1024x128xf32>
    tpu.vector_store %arg4[%swap3A_20, %swap3A_21], %dot_general3A_19 {strides = array<i32>} : memref<1024x128xf32, #tpu.memory_space<vmem>>, vector<1024x128xf32>,
    return
  }
}

module attributes {stable_mosaic.version = 14 : i64} {
  func.func @_finish_body(%arg0: i32, %arg1: memref<8x96x128xi16, #tpu.memory_space<vmem>>, %arg2: memref<8x128xf32, #tpu.memory_space<vmem>>, %arg3: memref<8x2x126x128xf32, #tpu.memory_space<vmem>>) attributes {dimension_semantics = [#tpu.dimension_semantics<arbitrary>], iteration_bounds = array<i64: 128>, scalar_prefetch = 0 : i64, scratch_operands = 0 : i64, tpu.core_type = #tpu.core_type<tc>, window_params = [{transform_indices = @transform_0, window_bounds = array<i64: 8, 96, 128>}, {transform_indices = @transform_1, window_bounds = array<i64: 8, 128>}, {transform_indices = @transform_2, window_bounds = array<i64: 8, 2, 126, 128>}]} {
    %get3A = arith.constant 0 : index
    %get3A_0 = arith.constant 0 : index
    %get3A_1 = arith.constant 0 : index
    %get3A_2 = vector.load %arg1[%get3A, %get3A_0, %get3A_1] : memref<8x96x128xi16, #tpu.memory_space<vmem>>, vector<8x96x128xi16>
    %convert_element_type3A = arith.extui %get3A_2 : vector<8x96x128xi16> to vector<8x96x128xi32>
    %shift_right_arithmetic3A = arith.constant 15 : i32
    %shift_right_arithmetic3A_3 = vector.broadcast %shift_right_arithmetic3A : i32 to vector<8x96x128xi32>
    %shift_right_arithmetic3A_4 = arith.shrsi %convert_element_type3A, %shift_right_arithmetic3A_3 : vector<8x96x128xi32>
    %shift_left3A = arith.constant 31 : i32
    %shift_left3A_5 = vector.broadcast %shift_left3A : i32 to vector<8x96x128xi32>
    %shift_left3A_6 = arith.shli %shift_right_arithmetic3A_4, %shift_left3A_5 : vector<8x96x128xi32>
    %shift_right_arithmetic3A_7 = arith.constant 10 : i32
    %shift_right_arithmetic3A_8 = vector.broadcast %shift_right_arithmetic3A_7 : i32 to vector<8x96x128xi32>
    %shift_right_arithmetic3A_9 = arith.shrsi %convert_element_type3A, %shift_right_arithmetic3A_8 : vector<8x96x128xi32>
    %and3A = arith.constant 31 : i32
    %and3A_10 = vector.broadcast %and3A : i32 to vector<8x96x128xi32>
    %and3A_11 = arith.andi %shift_right_arithmetic3A_9, %and3A_10 : vector<8x96x128xi32>
    %and3A_12 = arith.constant 1023 : i32
    %and3A_13 = vector.broadcast %and3A_12 : i32 to vector<8x96x128xi32>
    %and3A_14 = arith.andi %convert_element_type3A, %and3A_13 : vector<8x96x128xi32>
    %add3A = arith.constant 112 : i32
    %add3A_15 = vector.broadcast %add3A : i32 to vector<8x96x128xi32>
    %add3A_16 = arith.addi %and3A_11, %add3A_15 : vector<8x96x128xi32>
    %shift_left3A_17 = arith.constant 23 : i32
    %shift_left3A_18 = vector.broadcast %shift_left3A_17 : i32 to vector<8x96x128xi32>
    %shift_left3A_19 = arith.shli %add3A_16, %shift_left3A_18 : vector<8x96x128xi32>
    %or3A = arith.ori %shift_left3A_6, %shift_left3A_19 : vector<8x96x128xi32>
    %shift_left3A_20 = arith.constant 13 : i32
    %shift_left3A_21 = vector.broadcast %shift_left3A_20 : i32 to vector<8x96x128xi32>
    %shift_left3A_22 = arith.shli %and3A_14, %shift_left3A_21 : vector<8x96x128xi32>
    %or3A_23 = arith.ori %or3A, %shift_left3A_22 : vector<8x96x128xi32>
    %bitcast_convert_type3A = tpu.bitcast %or3A_23 : vector<8x96x128xi32> -> vector<8x96x128xf32>
    %convert_element_type3A_24 = arith.sitofp %and3A_14 : vector<8x96x128xi32> to vector<8x96x128xf32>
    %mul3A = arith.constant 5.96046448E-8 : f32
    %mul3A_25 = vector.broadcast %mul3A : f32 to vector<8x96x128xf32>
    %mul3A_26 = arith.mulf %convert_element_type3A_24, %mul3A_25 : vector<8x96x128xf32>
    %eq3A = arith.constant 0 : i32
    %eq3A_27 = vector.broadcast %eq3A : i32 to vector<8x96x128xi32>
    %eq3A_28 = arith.cmpi eq, %and3A_11, %eq3A_27 : vector<8x96x128xi32>
    %ne3A = arith.constant 0 : i32
    %ne3A_29 = vector.broadcast %ne3A : i32 to vector<8x96x128xi32>
    %ne3A_30 = arith.cmpi ne, %shift_left3A_6, %ne3A_29 : vector<8x96x128xi32>
    %neg3A = arith.constant 0.000000e+00 : f32
    %neg3A_31 = vector.broadcast %neg3A : f32 to vector<8x96x128xf32>
    %neg3A_32 = arith.subf %neg3A_31, %mul3A_26 : vector<8x96x128xf32>
    %select_n3A = arith.select %ne3A_30, %neg3A_32, %mul3A_26 : vector<8x96x128xi1>, vector<8x96x128xf32>
    %select_n3A_33 = arith.select %eq3A_28, %select_n3A, %bitcast_convert_type3A : vector<8x96x128xi1>, vector<8x96x128xf32>
    %get3A_34 = arith.constant 0 : index
    %get3A_35 = arith.constant 0 : index
    %get3A_36 = vector.load %arg2[%get3A_34, %get3A_35] : memref<8x128xf32, #tpu.memory_space<vmem>>, vector<8x128xf32>
    %broadcast_in_dim3A = vector.shape_cast %get3A_36 : vector<8x128xf32> to vector<8x1x128xf32>
    %sub3A = arith.constant 5.000000e-01 : f32
    %sub3A_37 = vector.broadcast %sub3A : f32 to vector<8x96x128xf32>
    %sub3A_38 = arith.subf %select_n3A_33, %sub3A_37 : vector<8x96x128xf32>
    %mul3A_39 = vector.broadcast %broadcast_in_dim3A : vector<8x1x128xf32> to vector<8x96x128xf32>
    %mul3A_40 = arith.mulf %mul3A_39, %sub3A_38 : vector<8x96x128xf32>
    %add3A_41 = arith.constant 5.000000e-01 : f32
    %add3A_42 = vector.broadcast %add3A_41 : f32 to vector<8x96x128xf32>
    %add3A_43 = arith.addf %add3A_42, %mul3A_40 : vector<8x96x128xf32>
    %broadcast_in_dim3A_44 = arith.constant 5.000000e-01 : f32
    %broadcast_in_dim3A_45 = vector.broadcast %broadcast_in_dim3A_44 : f32 to vector<8x1x19x128xf32>
    %broadcast_in_dim3A_46 = vector.shape_cast %broadcast_in_dim3A_45 : vector<8x1x19x128xf32> to vector<8x1x19x128xf32>
    %broadcast_in_dim3A_47 = vector.broadcast %broadcast_in_dim3A_46 : vector<8x1x19x128xf32> to vector<8x2x19x128xf32>
    %swap3A = arith.constant 0 : index
    %swap3A_48 = arith.constant 0 : index
    %swap3A_49 = arith.constant 0 : index
    %swap3A_50 = arith.constant 0 : index
    %swap3A_51 = vector.load %arg3[%swap3A, %swap3A_48, %swap3A_49, %swap3A_50] : memref<8x2x126x128xf32, #tpu.memory_space<vmem>>, vector<8x2x19x128xf32>
    tpu.vector_store %arg3[%swap3A, %swap3A_48, %swap3A_49, %swap3A_50], %broadcast_in_dim3A_47 {strides = array<i32>} : memref<8x2x126x128xf32, #tpu.memory_space<vmem>>, vector<8x2x19x128xf32>,
    %slice3A = vector.extract_strided_slice %add3A_43 {offsets = [0, 0, 0], sizes = [8, 48, 128], strides = [1, 1, 1]} : vector<8x96x128xf32> to vector<8x48x128xf32>
    %swap3A_52 = arith.constant 0 : index
    %swap3A_53 = arith.constant 0 : index
    %swap3A_54 = arith.constant 19 : index
    %swap3A_55 = arith.constant 0 : index
    %swap3A_56 = vector.load %arg3[%swap3A_52, %swap3A_53, %swap3A_54, %swap3A_55] : memref<8x2x126x128xf32, #tpu.memory_space<vmem>>, vector<8x1x48x128xf32>
    %swap3A_57 = vector.shape_cast %swap3A_56 : vector<8x1x48x128xf32> to vector<8x48x128xf32>
    %swap3A_58 = vector.shape_cast %slice3A : vector<8x48x128xf32> to vector<8x1x48x128xf32>
    tpu.vector_store %arg3[%swap3A_52, %swap3A_53, %swap3A_54, %swap3A_55], %swap3A_58 {strides = array<i32>} : memref<8x2x126x128xf32, #tpu.memory_space<vmem>>, vector<8x1x48x128xf32>,
    %slice3A_59 = vector.extract_strided_slice %add3A_43 {offsets = [0, 48, 0], sizes = [8, 48, 128], strides = [1, 1, 1]} : vector<8x96x128xf32> to vector<8x48x128xf32>
    %swap3A_60 = arith.constant 0 : index
    %swap3A_61 = arith.constant 1 : index
    %swap3A_62 = arith.constant 19 : index
    %swap3A_63 = arith.constant 0 : index
    %swap3A_64 = vector.load %arg3[%swap3A_60, %swap3A_61, %swap3A_62, %swap3A_63] : memref<8x2x126x128xf32, #tpu.memory_space<vmem>>, vector<8x1x48x128xf32>
    %swap3A_65 = vector.shape_cast %swap3A_64 : vector<8x1x48x128xf32> to vector<8x48x128xf32>
    %swap3A_66 = vector.shape_cast %slice3A_59 : vector<8x48x128xf32> to vector<8x1x48x128xf32>
    tpu.vector_store %arg3[%swap3A_60, %swap3A_61, %swap3A_62, %swap3A_63], %swap3A_66 {strides = array<i32>} : memref<8x2x126x128xf32, #tpu.memory_space<vmem>>, vector<8x1x48x128xf32>,
    %broadcast_in_dim3A_67 = arith.constant 5.000000e-01 : f32
    %broadcast_in_dim3A_68 = vector.broadcast %broadcast_in_dim3A_67 : f32 to vector<8x2x59x128xf32>
    %swap3A_69 = arith.constant 0 : index
    %swap3A_70 = arith.constant 0 : index
    %swap3A_71 = arith.constant 67 : index
    %swap3A_72 = arith.constant 0 : index
    %swap3A_73 = vector.load %arg3[%swap3A_69, %swap3A_70, %swap3A_71, %swap3A_72] : memref<8x2x126x128xf32, #tpu.memory_space<vmem>>, vector<8x2x59x128xf32>
    tpu.vector_store %arg3[%swap3A_69, %swap3A_70, %swap3A_71, %swap3A_72], %broadcast_in_dim3A_68 {strides = array<i32>} : memref<8x2x126x128xf32, #tpu.memory_space<vmem>>, vector<8x2x59x128xf32>,
    return
  }
  func.func @transform_0(%arg0: i32) -> (i32, i32, i32) {
    %c0_i32 = arith.constant 0 : i32
    %c0_i32_0 = arith.constant 0 : i32
    %c0_i32_1 = arith.constant 0 : i32
    return %arg0, %c0_i32, %c0_i32_0 : i32, i32, i32
  }
  func.func @transform_1(%arg0: i32) -> (i32, i32) {
    %c0_i32 = arith.constant 0 : i32
    %c0_i32_0 = arith.constant 0 : i32
    return %arg0, %c0_i32 : i32, i32
  }
  func.func @transform_2(%arg0: i32) -> (i32, i32, i32, i32) {
    %c0_i32 = arith.constant 0 : i32
    %c0_i32_0 = arith.constant 0 : i32
    %c0_i32_1 = arith.constant 0 : i32
    %c0_i32_2 = arith.constant 0 : i32
    return %arg0, %c0_i32, %c0_i32_0, %c0_i32_1 : i32, i32, i32, i32
  }
}

</mosaic_0001>

<sc_bundles>
// kernel: kernel.5.cloned.1.call-start
scs
__scs_entry_jumppad:
0x0: {  	(pc) =	sbr.rel $0x88, $3  }
0x1: {  	(tag) =	ssettag $0x0;
	lr =	simm.s32 $0x1  }
0x2: {  	[smem:$0x3F9F] =	sst lr;
	_ =	strace $0xD0000000  }
0x3: {  	_ = 	snop  }
0x4: {  	_ = 	snop  }
0x5: {  	_ = 	snop  }
0x6: {  	_ = 	snop  }
0x7: {  	_ = 	snop  }
__scs_overlays_trampoline_lowered:
0x8: {  	[smem:$0x3FAE] =	sst s0  }
0x9: {  	[smem:$0x3FAF] =	sst s1  }
0xa: {  	[smem:$0x3FB0] =	sst s2  }
0xb: {  	[smem:$0x3FB1] =	sst s3  }
0xc: {  	[smem:$0x3FB2] =	sst s4  }
0xd: {  	[smem:$0x3FB3] =	sst s5  }
0xe: {  	[smem:$0x3FB4] =	sst s6  }
0xf: {  	[smem:$0x3FB5] =	sst s7  }
0x10: {  	[smem:$0x3FB6] =	sst s8  }
0x11: {  	[smem:$0x3FB7] =	sst s9;
	s0 =	simm.s32 @!p0 $0x0  }
0x12: {  	s1 =	sld [smem:$0x3F9D];
	s0 =	simm.s32 @p0 $0x1  }
0x13: {  	[smem:$0x3FB8] =	sst s0;
	s0 =	simm.s32 @!p1 $0x0  }
0x14: {  	s2 =	sld [smem:$0x3F9C];
	s0 =	simm.s32 @p1 $0x1  }
0x15: {  	[smem:$0x3FB9] =	sst s0;
	s0 =	simm.s32 @!p2 $0x0  }
0x16: {  	s3 =	sld [smem:$0x3FDB];
	s0 =	simm.s32 @p2 $0x1  }
0x17: {  	s4 =	simm.s32 $0x1BF5;
	[smem:$0x3FBB] =	sst s0  }
0x18: {  	s0 =	sld [smem:$0x3F9E];
	_ =	swait.ge [sflag:s4], $0x0  }
0x19: {  	s7 =	sld [smem:$0x3F9F]  }
0x1a: {  	s8 =	sadd.s32 $0xFFFFE003, lr  }
0x1b: {  	s9 =	sadd.s32 $0xFFFFFEF7, lr;
	s5 =	simm.s32 $0xFFFFFFFF;
	p2 =	slt.u32 s8, $0xFFFFF086  }
0x1c: {  	p1 =	slt.u32 s9, $0xF7A;
	s5 =	simm.s32 @!p2 $0x0  }
0x1d: {  	s5 =	simm.s32 @p1 $0x1;
	p0 =	seq.s32 s7, s2  }
0x1e: {  	s7 =	smul.u32 @!p0 $0xF7A, s2;
	p2 =	seq.s32 @!p0 s5, $0x0  }
0x1f: {  	s9 =	smul.u32 $0xF7A, s1;
	s8 =	simm.s32 @!p0 $0x1BF5;
	p2 =	por !p2, p0  }
0x20: {  	[sflag:s8] =	ssyncset.s32 @!p0 $0xFFFFF086;
	s6 =	sadd.s32 @!p0 s3, s7;
	s7 =	simm.s32 @!p0 $0x108  }
0x21: {  	s3 =	sadd.s32 s3, s9;
	s6 =	sadd.s32 @!p0 $0x88, s6;
	s7 =	simm.s32 @p2 $0x1082  }
0x22: {  	[simem:s7], [sflag:s8] =	dma.local @!p0 [hbm:s6], $0xF7A  }
0x23: {  	s9 =	sor.u32 $0xD0000000, s2;
	s6 =	simm.s32 $0x108;
	_ =	swait.ge @!p0 [sflag:s8], $0x0  }
0x24: {  	s3 =	sadd.s32 $0x88, s3;
	s6 =	simm.s32 @!p1 $0x1082;
	[sflag:s4] =	ssyncset.s32 $0xFFFFF086  }
0x25: {  	[simem:s6], [sflag:s4] =	dma.local [hbm:s3], $0xF7A  }
0x26: {  	[smem:$0x3F9F] =	sst s1;
	(tag) =	ssettag s2;
	_ =	strace s9  }
0x27: {  	s1 =	sld [smem:$0x3FAF]  }
0x28: {  	s2 =	sld [smem:$0x3FB0]  }
0x29: {  	s4 =	sld [smem:$0x3FB2]  }
0x2a: {  	p0 =	seq.s32 s5, $0x0;
	s5 =	sld [smem:$0x3FB3]  }
0x2b: {  	s6 =	sld [smem:$0x3FB4]  }
0x2c: {  	s7 =	sld [smem:$0x3FB5]  }
0x2d: {  	s3 =	simm.s32 $0x108;
	s8 =	sld [smem:$0x3FB6]  }
0x2e: {  	s3 =	simm.s32 @!p0 $0x1082;
	s9 =	sld [smem:$0x3FB7]  }
0x2f: {  	lr =	sadd.s32 s0, s3;
	s0 =	sld [smem:$0x3FAE]  }
0x30: {  	s3 =	sld [smem:$0x3FB1]  }
0x31: {  	[smem:$0x3FBA] =	sst s10  }
0x32: {  	s10 =	sld [smem:$0x3FB8];
	_ =	sdelay $0x3  }
0x33: {  	p0 =	seq.s32 s10, $0x1;
	s10 =	sld [smem:$0x3FBA];
	_ =	sdelay $0x3  }
0x34: {  	[smem:$0x3FBA] =	sst s10  }
0x35: {  	s10 =	sld [smem:$0x3FB9];
	_ =	sdelay $0x3  }
0x36: {  	p1 =	seq.s32 s10, $0x1;
	s10 =	sld [smem:$0x3FBA];
	_ =	sdelay $0x3  }
0x37: {  	[smem:$0x3FBA] =	sst s10  }
0x38: {  	s10 =	sld [smem:$0x3FBB]  }
0x39: {  	_ = 	snop;
	(pc) =	sbr.ind lr, $3  }
0x3a: {  	_ = 	snop  }
0x3b: {  	_ = 	snop  }
0x3c: {  	p2 =	seq.s32 s10, $0x1;
	s10 =	sld [smem:$0x3FBA]  }
0x3d: {  	_ =	shalt  }
0x3e: {  	_ =	shalt  }
0x3f: {  	_ =	shalt  }
0x40: {  	_ =	shalt  }
0x41: {  	_ =	shalt  }
0x42: {  	_ =	shalt  }
0x43: {  	_ =	shalt  }
0x44: {  	_ =	shalt  }
0x45: {  	_ =	shalt  }
0x46: {  	_ =	shalt  }
0x47: {  	_ =	shalt  }
0x48: {  	_ =	shalt  }
0x49: {  	_ =	shalt  }
0x4a: {  	_ =	shalt  }
0x4b: {  	_ =	shalt  }
0x4c: {  	_ =	shalt  }
0x4d: {  	_ =	shalt  }
0x4e: {  	_ =	shalt  }
0x4f: {  	_ =	shalt  }
0x50: {  	_ =	shalt  }
0x51: {  	_ =	shalt  }
0x52: {  	_ =	shalt  }
0x53: {  	_ =	shalt  }
0x54: {  	_ =	shalt  }
0x55: {  	_ =	shalt  }
0x56: {  	_ =	shalt  }
0x57: {  	_ =	shalt  }
0x58: {  	_ =	shalt  }
0x59: {  	_ =	shalt  }
0x5a: {  	_ =	shalt  }
0x5b: {  	_ =	shalt  }
0x5c: {  	_ =	shalt  }
0x5d: {  	_ =	shalt  }
0x5e: {  	_ =	shalt  }
0x5f: {  	_ =	shalt  }
0x60: {  	_ =	shalt  }
0x61: {  	_ =	shalt  }
0x62: {  	_ =	shalt  }
0x63: {  	_ =	shalt  }
0x64: {  	_ =	shalt  }
0x65: {  	_ =	shalt  }
0x66: {  	_ =	shalt  }
0x67: {  	_ =	shalt  }
0x68: {  	_ =	shalt  }
0x69: {  	_ =	shalt  }
0x6a: {  	_ =	shalt  }
0x6b: {  	_ =	shalt  }
0x6c: {  	_ =	shalt  }
0x6d: {  	_ =	shalt  }
0x6e: {  	_ =	shalt  }
0x6f: {  	_ =	shalt  }
0x70: {  	_ =	shalt  }
0x71: {  	_ =	shalt  }
0x72: {  	_ =	shalt  }
0x73: {  	_ =	shalt  }
0x74: {  	_ =	shalt  }
0x75: {  	_ =	shalt  }
0x76: {  	_ =	shalt  }
0x77: {  	_ =	shalt  }
0x78: {  	_ =	shalt  }
0x79: {  	_ =	shalt  }
0x7a: {  	_ =	shalt  }
0x7b: {  	_ =	shalt  }
0x7c: {  	_ =	shalt  }
0x7d: {  	_ =	shalt  }
0x7e: {  	_ =	shalt  }
0x7f: {  	_ =	shalt  }
0x80: {  	_ =	shalt  }
0x81: {  	_ =	shalt  }
0x82: {  	_ =	shalt  }
0x83: {  	_ =	shalt  }
0x84: {  	_ =	shalt  }
0x85: {  	_ =	shalt  }
0x86: {  	_ =	shalt  }
0x87: {  	_ =	shalt  }
.Lfunc_end0:
.L_simem_size_0:
called_computation.1_lowered:
.L_overlay_start_0:
0x88: {  	s2 =	sld [smem:$0x3FD9]  }
0x89: {  	s3 =	sld [smem:$0x3FFE];
	_ =	sdelay $0x1  }
0x8a: {  	s1 =	srdreg.scid  }
0x8b: {  	s0 =	sand.u32 $0x1, s1  }
0x8c: {  	s17 =	sshll.u32 s0, $0xA;
	s2 =	sadd.s32 s3, s2  }
0x8d: {  	s2 =	sadd.s32 s2, s17  }
0x8e: {  	[smem:$0x3FC6] =	sst s2  }
0x8f: {  	_ = 	snop  }
0x90: {  	s2 =	sld [smem:$0x3FD0];
	(tm) =	ssettm $0x1  }
0x91: {  	s18 =	sld [smem:$0x3FFB];
	_ =	sdelay $0x3  }
0x92: {  	_ =	strace s18  }
0x93: {  	s3 =	sld [smem:$0x3FFC];
	_ =	sdelay $0x3  }
0x94: {  	_ =	strace s3  }
0x95: {  	s3 =	sld [smem:$0x3FFD];
	_ =	sdelay $0x3  }
0x96: {  	_ =	strace s3  }
0x97: {  	_ =	strace $0x8FFFFFFF  }
0x98: {  	s19 =	sld [smem:$0x3FDB];
	_ =	sdelay $0x1  }
0x99: {  	s4 =	simm.s32 $_scs_section_size  }
0x9a: {  	s5 =	simm.s32 $_size__tile_overlayer_lowered;
	s6 =	simm.s32 $_tile_overlayer_lowered  }
0x9b: {  	s22 =	simm.s32 $0x1BFF;
	s21 =	sshll.u32 s6, $0x1;
	s3 =	sadd.s32 s4, s19  }
0x9c: {  	s7 =	simm.s32 $0x0;
	s20 =	sshll.u32 s5, $0x1;
	s5 =	sadd.s32 s21, s3  }
0x9d: {  	[timem:s7], [sflag:s22] =	dma.local [hbm:s5], s20  }
0x9e: {  	_ =	swait.ge [sflag:s22], s20  }
0x9f: {  	s4 =	ssub.s32 $0x0, s20;
	[sflag:s22] =	ssyncset.done $0x0  }
0xa0: {  	[sflag:s22] =	ssyncadd.s32 s4;
	_ =	sdelay $0x1  }
0xa1: {  	s23 =	simm.s32 $0x1B8B  }
0xa2: {  	_ =	swait.ge [sflag:s23], $0x1  }
0xa3: {  	[sflag:s23] =	ssyncset.done $0x0  }
0xa4: {  	s25 =	simm.s32 $0x1B8E;
	s24 =	sld [smem:$0x3FFE];
	[sflag:s23] =	ssyncadd.s32 $0xFFFFFFFF  }
0xa5: {  	s26 =	simm.s32 $execute0_lowered;
	[smem:$0x3FD2] =	sst s25  }
0xa6: {  	s5 =	sshll.u32 s26, $0x1;
	_ =	strace $0x80000049;
	[dreg:$0x1] =	wrdreg $0xFFFFFFFF  }
0xa7: {  	s28 =	simm.s32 $_size_execute0_lowered;
	s3 =	sadd.s32 s3, s5;
	[dreg:$0x0] =	wrdreg $0x0  }
0xa8: {  	s5 =	sshll.u32 s28, $0x1;
	[dreg:$0x2] =	wrdreg s3  }
0xa9: {  	[dreg:$0x3] =	wrdreg s5  }
0xaa: {  	[dreg:$0x4] =	wrdreg $0xC0  }
0xab: {  	_ =	task [dreg:s7], $0x5FFFF  }
0xac: {  	[dreg:$0x1] =	wrdreg $0xFFFFFFFF  }
0xad: {  	[dreg:$0x0] =	wrdreg $0x60  }
0xae: {  	[dreg:$0x2] =	wrdreg s2  }
0xaf: {  	[dreg:$0x3] =	wrdreg s24  }
0xb0: {  	[dreg:$0x4] =	wrdreg $0x9  }
0xb1: {  	_ =	task.clear_ibuf [dreg:s7], $0x5FFFF;
	_ =	strace $0x90000049  }
0xb2: {  	s29 =	simm.s32 $0x9;
	_ =	strace $0x8000004B  }
0xb3: {  	_ =	swait.ge [sflag:s29], $0x1  }
0xb4: {  	[sflag:s29] =	ssyncadd.s32 $0xFFFFFFFF  }
0xb5: {  	_ =	strace $0x9000004B  }
0xb6: {  	_ =	sfence  }
0xb7: {  	s30 =	sld [smem:$0x0];
	_ =	sdelay $0x2  }
0xb8: {  	s31 =	sshll.u32 s1, $0xD;
	s1 =	sshrl.u32 s1, $0x2  }
0xb9: {  	s3 =	sand.u32 $0x4000, s31;
	s1 =	sadd.s32 s1, s30  }
0xba: {  	s0 =	sor.u32 s3, s0;
	s1 =	sshll.u32 s1, $0x11  }
0xbb: {  	s0 =	sor.u32 s1, s0  }
0xbc: {  	s0 =	sadd.s32 $0x8F2B, s0  }
0xbd: {  	[sflag:s0] =	ssyncadd.remote.s32 $0x1  }
0xbe: {  	_ =	sfence.sel $0xFFFF  }
0xbf: {  	[dreg:$0x0] =	wrdreg $0xFFFFFFFF;
	(pc) =	sbr.abs _section_cstart, $3  }
0xc0: {  	[dreg:$0x1] =	wrdreg $0xFFFFFFFF  }
0xc1: {  	_ =	task.clear_ibuf [dreg:s7], $0x2FFFF;
	_ =	strace $0x9FFFFFFF  }
0xc2: {  	(tm) =	ssettm $0x7FFFFFFF  }
0xc3: {  	_ =	shalt  }
tec
execute0_lowered:
.L_overlay_start_1:
0x0: {  	(tag) =	ssettag $0x1  }
0x1: {  	s7 =	rddreg [dreg:$0x0]  }
0x2: {  	s6 =	rddreg [dreg:$0x1]  }
0x3: {  	s0 =	rddreg [dreg:$0x2];
	s3 =	srdreg.scid  }
0x4: {  	s2 =	simm.s32 $0x0;
	s1 =	stileid.u32;
	s11 =	simm.s32 $0x17  }
0x5: {  	s12 =	simm.s32 $0x380;
	s13 =	simm.s32 $0x1;
	s14 =	simm.s32 $0x2600  }
0x6: {  	s15 =	simm.s32 $0x0;
	s3 =	sand.u32 $0x1, s3;
	[smem:$0x7FF] =	sst s2  }
0x7: {  	s4 =	sshll.u32 s1, $0x6;
	s5 =	sshll.u32 s3, $0x5;
	_ =	strace $0x8000004A  }
0x8: {  	s8 =	ssub.s32 $0x2, s3;
	s3 =	sor.u32 s5, s4;
	s4 =	sadd.s32 $0x601200, s6  }
0x9: {  	s9 =	sshrl.u32 s8, $0x1;
	s5 =	sadd.s32 $0xC05200, s6;
	s10 =	smul.u32 $0x3, s3  }
0xa: {  	s6 =	sadd.s32 $0x1200, s6;
	s8 =	ssub.s32 s8, s9;
	s9 =	simm.s32 $0x2  }
0xb: {  	s8 =	smax.u32 s8, $0x1;
	s7 =	sadd.s32 s7, s10;
	s10 =	simm.s32 $0x300  }
.LBB2_1:
0xc: {  	[tilespmem:s2], [sflag:$0x2] =	stream.linear.gather [hbm4b:s7+s2], $0x300, $0x38;
	[tilespmem:$0x3E00] =	vst v63  }
0xd: {  	_ =	swait.ge [sflag:s9], $0x300  }
0xe: {  	[sflag:s9] =	ssyncset.done $0x0  }
0xf: {  	[sflag:s9] =	ssyncadd.s32 $0xFFFFFD00  }
0x10: {  	[tilespmem:s10], [sflag:$0x2] =	stream.linear.gather [hbm4b:s5+s2], $0x80, $0x38;
	[tilespmem:$0x3E00] =	vst v63  }
0x11: {  	_ =	swait.ge [sflag:s9], $0x80  }
0x12: {  	[sflag:s9] =	ssyncset.done $0x0  }
0x13: {  	s16 =	simm.s32 $0x0;
	[sflag:s9] =	ssyncadd.s32 $0xFFFFFF80  }
.LBB2_2:
0x14: {  	s17 =	smul.u32 $0x60, s16;
	_ =	sdelay $0x1  }
0x15: {  	s17 =	sshra.s32 s17, $0x2  }
0x16: {  	[tilespmem:s12], [sflag:$0x1] =	stream.indirect.gather [hbm4b:s4+s11], $0x180, s17, s11, $0xb8;
	[tilespmem:$0x3E00] =	vst v63  }
0x17: {  	_ =	swait.ge [sflag:s13], $0x2280  }
0x18: {  	[sflag:s13] =	ssyncset.done $0x0  }
0x19: {  	s18 =	simm.s32 $0x2700;
	s17 =	simm.s32 $0x1C;
	[sflag:s13] =	ssyncadd.s32 $0xFFFFDD80  }
.LBB2_3:
0x1a: {  	v0 =	vld [tilespmem:$0x300]  }
0x1b: {  	v1 =	vld [tilespmem:$0x340];
	_ =	sdelay $0x3  }
0x1c: {  	s19 =	sadd.s32 $0xFFFFFFE4, s17  }
0x1d: {  	v2 =	vadd.s32 s19, v1;
	v0 =	vmul.u32 $0x180, v0  }
0x1e: {  	v2 =	vand.u32 $0xFFFFFFF8, v2  }
0x1f: {  	v1 =	vand.u32 $0x7, v1;
	v0 =	vadd.s32 v0, v2  }
0x20: {  	v0 =	vor.u32 v1, v0;
	_ =	sdelay $0x4  }
0x21: {  	v0 =	vld.idx.msk [tilespmem:v0+s12+$0x0], $0xffff;
	_ =	sdelay $0x4  }
0x22: {  	[tilespmem:s18+$0xFFFFFF00] =	vst v0  }
0x23: {  	v0 =	vld [tilespmem:$0x310]  }
0x24: {  	v62 =	vld [tilespmem:$0x350];
	_ =	sdelay $0x4  }
0x25: {  	v63 =	vadd.s32 s19, v62;
	v0 =	vmul.u32 $0x180, v0  }
0x26: {  	v2 =	vand.u32 $0xFFFFFFF8, v63  }
0x27: {  	v1 =	vand.u32 $0x7, v62;
	v0 =	vadd.s32 v0, v2  }
0x28: {  	v0 =	vor.u32 v1, v0;
	_ =	sdelay $0x4  }
0x29: {  	v0 =	vld.idx.msk [tilespmem:v0+s12+$0x0], $0xffff;
	_ =	sdelay $0x4  }
0x2a: {  	[tilespmem:s18+$0xFFFFFF10] =	vst v0  }
0x2b: {  	v0 =	vld [tilespmem:$0x320]  }
0x2c: {  	v4 =	vld [tilespmem:$0x360];
	_ =	sdelay $0x4  }
0x2d: {  	v5 =	vadd.s32 s19, v4;
	v0 =	vmul.u32 $0x180, v0  }
0x2e: {  	v2 =	vand.u32 $0xFFFFFFF8, v5  }
0x2f: {  	v1 =	vand.u32 $0x7, v4;
	v0 =	vadd.s32 v0, v2  }
0x30: {  	v0 =	vor.u32 v1, v0;
	_ =	sdelay $0x4  }
0x31: {  	v0 =	vld.idx.msk [tilespmem:v0+s12+$0x0], $0xffff;
	_ =	sdelay $0x4  }
0x32: {  	[tilespmem:s18+$0xFFFFFF20] =	vst v0  }
0x33: {  	v0 =	vld [tilespmem:$0x330]  }
0x34: {  	v6 =	vld [tilespmem:$0x370];
	_ =	sdelay $0x4  }
0x35: {  	v7 =	vadd.s32 s19, v6;
	v0 =	vmul.u32 $0x180, v0  }
0x36: {  	v2 =	vand.u32 $0xFFFFFFF8, v7  }
0x37: {  	v1 =	vand.u32 $0x7, v6;
	v0 =	vadd.s32 v0, v2  }
0x38: {  	v0 =	vor.u32 v1, v0;
	_ =	sdelay $0x4  }
0x39: {  	v0 =	vld.idx.msk [tilespmem:v0+s12+$0x0], $0xffff;
	_ =	sdelay $0x4  }
0x3a: {  	[tilespmem:s18+$0xFFFFFF30] =	vst v0  }
0x3b: {  	v0 =	vld [tilespmem:$0x300]  }
0x3c: {  	v8 =	vld [tilespmem:$0x340];
	_ =	sdelay $0x3  }
0x3d: {  	s25 =	sadd.s32 $0xFFFFFFE8, s17  }
0x3e: {  	v1 =	vadd.s32 s25, v8;
	v0 =	vmul.u32 $0x180, v0  }
0x3f: {  	v9 =	vand.u32 $0xFFFFFFF8, v1  }
0x40: {  	v1 =	vand.u32 $0x7, v1;
	v0 =	vadd.s32 v0, v9  }
0x41: {  	v0 =	vor.u32 v1, v0;
	_ =	sdelay $0x4  }
0x42: {  	v0 =	vld.idx.msk [tilespmem:v0+s12+$0x0], $0xffff;
	_ =	sdelay $0x4  }
0x43: {  	[tilespmem:s18+$0xFFFFFF40] =	vst v0  }
0x44: {  	v0 =	vld [tilespmem:$0x310]  }
0x45: {  	v10 =	vld [tilespmem:$0x350];
	_ =	sdelay $0x4  }
0x46: {  	v1 =	vadd.s32 s25, v10;
	v0 =	vmul.u32 $0x180, v0  }
0x47: {  	v11 =	vand.u32 $0xFFFFFFF8, v1  }
0x48: {  	v1 =	vand.u32 $0x7, v1;
	v0 =	vadd.s32 v0, v11  }
0x49: {  	v0 =	vor.u32 v1, v0;
	_ =	sdelay $0x4  }
0x4a: {  	v0 =	vld.idx.msk [tilespmem:v0+s12+$0x0], $0xffff;
	_ =	sdelay $0x4  }
0x4b: {  	[tilespmem:s18+$0xFFFFFF50] =	vst v0  }
0x4c: {  	v0 =	vld [tilespmem:$0x320]  }
0x4d: {  	v12 =	vld [tilespmem:$0x360];
	_ =	sdelay $0x4  }
0x4e: {  	v1 =	vadd.s32 s25, v12;
	v0 =	vmul.u32 $0x180, v0  }
0x4f: {  	v13 =	vand.u32 $0xFFFFFFF8, v1  }
0x50: {  	v1 =	vand.u32 $0x7, v1;
	v0 =	vadd.s32 v0, v13  }
0x51: {  	v0 =	vor.u32 v1, v0;
	_ =	sdelay $0x4  }
0x52: {  	v0 =	vld.idx.msk [tilespmem:v0+s12+$0x0], $0xffff;
	_ =	sdelay $0x4  }
0x53: {  	[tilespmem:s18+$0xFFFFFF60] =	vst v0  }
0x54: {  	v0 =	vld [tilespmem:$0x330]  }
0x55: {  	v14 =	vld [tilespmem:$0x370];
	_ =	sdelay $0x4  }
0x56: {  	v1 =	vadd.s32 s25, v14;
	v0 =	vmul.u32 $0x180, v0  }
0x57: {  	v15 =	vand.u32 $0xFFFFFFF8, v1  }
0x58: {  	v1 =	vand.u32 $0x7, v1;
	v0 =	vadd.s32 v0, v15  }
0x59: {  	v0 =	vor.u32 v1, v0;
	_ =	sdelay $0x4  }
0x5a: {  	v0 =	vld.idx.msk [tilespmem:v0+s12+$0x0], $0xffff;
	_ =	sdelay $0x4  }
0x5b: {  	[tilespmem:s18+$0xFFFFFF70] =	vst v0  }
0x5c: {  	v0 =	vld [tilespmem:$0x300]  }
0x5d: {  	v16 =	vld [tilespmem:$0x340];
	_ =	sdelay $0x3  }
0x5e: {  	s26 =	sadd.s32 $0xFFFFFFEC, s17  }
0x5f: {  	v17 =	vadd.s32 s26, v16;
	v0 =	vmul.u32 $0x180, v0  }
0x60: {  	v2 =	vand.u32 $0xFFFFFFF8, v17  }
0x61: {  	v1 =	vand.u32 $0x7, v16;
	v0 =	vadd.s32 v0, v2  }
0x62: {  	v0 =	vor.u32 v1, v0;
	_ =	sdelay $0x4  }
0x63: {  	v0 =	vld.idx.msk [tilespmem:v0+s12+$0x0], $0xffff;
	_ =	sdelay $0x4  }
0x64: {  	[tilespmem:s18+$0xFFFFFF80] =	vst v0  }
0x65: {  	v0 =	vld [tilespmem:$0x310]  }
0x66: {  	v18 =	vld [tilespmem:$0x350];
	_ =	sdelay $0x4  }
0x67: {  	v19 =	vadd.s32 s26, v18;
	v0 =	vmul.u32 $0x180, v0  }
0x68: {  	v2 =	vand.u32 $0xFFFFFFF8, v19  }
0x69: {  	v1 =	vand.u32 $0x7, v18;
	v0 =	vadd.s32 v0, v2  }
0x6a: {  	v0 =	vor.u32 v1, v0;
	_ =	sdelay $0x4  }
0x6b: {  	v0 =	vld.idx.msk [tilespmem:v0+s12+$0x0], $0xffff;
	_ =	sdelay $0x4  }
0x6c: {  	[tilespmem:s18+$0xFFFFFF90] =	vst v0  }
0x6d: {  	v0 =	vld [tilespmem:$0x320]  }
0x6e: {  	v20 =	vld [tilespmem:$0x360];
	_ =	sdelay $0x4  }
0x6f: {  	v21 =	vadd.s32 s26, v20;
	v0 =	vmul.u32 $0x180, v0  }
0x70: {  	v2 =	vand.u32 $0xFFFFFFF8, v21  }
0x71: {  	v1 =	vand.u32 $0x7, v20;
	v0 =	vadd.s32 v0, v2  }
0x72: {  	v0 =	vor.u32 v1, v0;
	_ =	sdelay $0x4  }
0x73: {  	v0 =	vld.idx.msk [tilespmem:v0+s12+$0x0], $0xffff;
	_ =	sdelay $0x4  }
0x74: {  	[tilespmem:s18+$0xFFFFFFA0] =	vst v0  }
0x75: {  	v0 =	vld [tilespmem:$0x330]  }
0x76: {  	v22 =	vld [tilespmem:$0x370];
	_ =	sdelay $0x4  }
0x77: {  	v23 =	vadd.s32 s26, v22;
	v0 =	vmul.u32 $0x180, v0  }
0x78: {  	v2 =	vand.u32 $0xFFFFFFF8, v23  }
0x79: {  	v1 =	vand.u32 $0x7, v22;
	v0 =	vadd.s32 v0, v2  }
0x7a: {  	v0 =	vor.u32 v1, v0;
	_ =	sdelay $0x4  }
0x7b: {  	v0 =	vld.idx.msk [tilespmem:v0+s12+$0x0], $0xffff;
	_ =	sdelay $0x4  }
0x7c: {  	[tilespmem:s18+$0xFFFFFFB0] =	vst v0  }
0x7d: {  	v0 =	vld [tilespmem:$0x300]  }
0x7e: {  	v24 =	vld [tilespmem:$0x340];
	_ =	sdelay $0x3  }
0x7f: {  	s28 =	sadd.s32 $0xFFFFFFF0, s17  }
0x80: {  	v1 =	vadd.s32 s28, v24;
	v0 =	vmul.u32 $0x180, v0  }
0x81: {  	v25 =	vand.u32 $0xFFFFFFF8, v1  }
0x82: {  	v1 =	vand.u32 $0x7, v1;
	v0 =	vadd.s32 v0, v25  }
0x83: {  	v0 =	vor.u32 v1, v0;
	_ =	sdelay $0x4  }
0x84: {  	v0 =	vld.idx.msk [tilespmem:v0+s12+$0x0], $0xffff;
	_ =	sdelay $0x4  }
0x85: {  	[tilespmem:s18+$0xFFFFFFC0] =	vst v0  }
0x86: {  	v0 =	vld [tilespmem:$0x310]  }
0x87: {  	v26 =	vld [tilespmem:$0x350];
	_ =	sdelay $0x4  }
0x88: {  	v1 =	vadd.s32 s28, v26;
	v0 =	vmul.u32 $0x180, v0  }
0x89: {  	v27 =	vand.u32 $0xFFFFFFF8, v1  }
0x8a: {  	v1 =	vand.u32 $0x7, v1;
	v0 =	vadd.s32 v0, v27  }
0x8b: {  	v0 =	vor.u32 v1, v0;
	_ =	sdelay $0x4  }
0x8c: {  	v0 =	vld.idx.msk [tilespmem:v0+s12+$0x0], $0xffff;
	_ =	sdelay $0x4  }
0x8d: {  	[tilespmem:s18+$0xFFFFFFD0] =	vst v0  }
0x8e: {  	v0 =	vld [tilespmem:$0x320]  }
0x8f: {  	v28 =	vld [tilespmem:$0x360];
	_ =	sdelay $0x4  }
0x90: {  	v1 =	vadd.s32 s28, v28;
	v0 =	vmul.u32 $0x180, v0  }
0x91: {  	v29 =	vand.u32 $0xFFFFFFF8, v1  }
0x92: {  	v1 =	vand.u32 $0x7, v1;
	v0 =	vadd.s32 v0, v29  }
0x93: {  	v0 =	vor.u32 v1, v0;
	_ =	sdelay $0x4  }
0x94: {  	v0 =	vld.idx.msk [tilespmem:v0+s12+$0x0], $0xffff;
	_ =	sdelay $0x4  }
0x95: {  	[tilespmem:s18+$0xFFFFFFE0] =	vst v0  }
0x96: {  	v0 =	vld [tilespmem:$0x330]  }
0x97: {  	v30 =	vld [tilespmem:$0x370];
	_ =	sdelay $0x4  }
0x98: {  	v1 =	vadd.s32 s28, v30;
	v0 =	vmul.u32 $0x180, v0  }
0x99: {  	v31 =	vand.u32 $0xFFFFFFF8, v1  }
0x9a: {  	v1 =	vand.u32 $0x7, v1;
	v0 =	vadd.s32 v0, v31  }
0x9b: {  	v0 =	vor.u32 v1, v0;
	_ =	sdelay $0x4  }
0x9c: {  	v0 =	vld.idx.msk [tilespmem:v0+s12+$0x0], $0xffff;
	_ =	sdelay $0x4  }
0x9d: {  	[tilespmem:s18+$0xFFFFFFF0] =	vst v0  }
0x9e: {  	v0 =	vld [tilespmem:$0x300]  }
0x9f: {  	v32 =	vld [tilespmem:$0x340];
	_ =	sdelay $0x3  }
0xa0: {  	s29 =	sadd.s32 $0xFFFFFFF4, s17  }
0xa1: {  	v33 =	vadd.s32 s29, v32;
	v0 =	vmul.u32 $0x180, v0  }
0xa2: {  	v2 =	vand.u32 $0xFFFFFFF8, v33  }
0xa3: {  	v1 =	vand.u32 $0x7, v32;
	v0 =	vadd.s32 v0, v2  }
0xa4: {  	v0 =	vor.u32 v1, v0;
	_ =	sdelay $0x4  }
0xa5: {  	v0 =	vld.idx.msk [tilespmem:v0+s12+$0x0], $0xffff;
	_ =	sdelay $0x4  }
0xa6: {  	[tilespmem:s18+$0x0] =	vst v0  }
0xa7: {  	v0 =	vld [tilespmem:$0x310]  }
0xa8: {  	v34 =	vld [tilespmem:$0x350];
	_ =	sdelay $0x4  }
0xa9: {  	v35 =	vadd.s32 s29, v34;
	v0 =	vmul.u32 $0x180, v0  }
0xaa: {  	v2 =	vand.u32 $0xFFFFFFF8, v35  }
0xab: {  	v1 =	vand.u32 $0x7, v34;
	v0 =	vadd.s32 v0, v2  }
0xac: {  	v0 =	vor.u32 v1, v0;
	_ =	sdelay $0x4  }
0xad: {  	v0 =	vld.idx.msk [tilespmem:v0+s12+$0x0], $0xffff;
	_ =	sdelay $0x4  }
0xae: {  	[tilespmem:s18+$0x10] =	vst v0  }
0xaf: {  	v0 =	vld [tilespmem:$0x320]  }
0xb0: {  	v36 =	vld [tilespmem:$0x360];
	_ =	sdelay $0x4  }
0xb1: {  	v37 =	vadd.s32 s29, v36;
	v0 =	vmul.u32 $0x180, v0  }
0xb2: {  	v2 =	vand.u32 $0xFFFFFFF8, v37  }
0xb3: {  	v1 =	vand.u32 $0x7, v36;
	v0 =	vadd.s32 v0, v2  }
0xb4: {  	v0 =	vor.u32 v1, v0;
	_ =	sdelay $0x4  }
0xb5: {  	v0 =	vld.idx.msk [tilespmem:v0+s12+$0x0], $0xffff;
	_ =	sdelay $0x4  }
0xb6: {  	[tilespmem:s18+$0x20] =	vst v0  }
0xb7: {  	v0 =	vld [tilespmem:$0x330]  }
0xb8: {  	v38 =	vld [tilespmem:$0x370];
	_ =	sdelay $0x4  }
0xb9: {  	v39 =	vadd.s32 s29, v38;
	v0 =	vmul.u32 $0x180, v0  }
0xba: {  	v2 =	vand.u32 $0xFFFFFFF8, v39  }
0xbb: {  	v1 =	vand.u32 $0x7, v38;
	v0 =	vadd.s32 v0, v2  }
0xbc: {  	v0 =	vor.u32 v1, v0;
	_ =	sdelay $0x4  }
0xbd: {  	v0 =	vld.idx.msk [tilespmem:v0+s12+$0x0], $0xffff;
	_ =	sdelay $0x4  }
0xbe: {  	[tilespmem:s18+$0x30] =	vst v0  }
0xbf: {  	v0 =	vld [tilespmem:$0x300]  }
0xc0: {  	v40 =	vld [tilespmem:$0x340];
	_ =	sdelay $0x3  }
0xc1: {  	s30 =	sadd.s32 $0xFFFFFFF8, s17  }
0xc2: {  	v1 =	vadd.s32 s30, v40;
	v0 =	vmul.u32 $0x180, v0  }
0xc3: {  	v41 =	vand.u32 $0xFFFFFFF8, v1  }
0xc4: {  	v1 =	vand.u32 $0x7, v1;
	v0 =	vadd.s32 v0, v41  }
0xc5: {  	v0 =	vor.u32 v1, v0;
	_ =	sdelay $0x4  }
0xc6: {  	v0 =	vld.idx.msk [tilespmem:v0+s12+$0x0], $0xffff;
	_ =	sdelay $0x4  }
0xc7: {  	[tilespmem:s18+$0x40] =	vst v0  }
0xc8: {  	v0 =	vld [tilespmem:$0x310]  }
0xc9: {  	v42 =	vld [tilespmem:$0x350];
	_ =	sdelay $0x4  }
0xca: {  	v1 =	vadd.s32 s30, v42;
	v0 =	vmul.u32 $0x180, v0  }
0xcb: {  	v43 =	vand.u32 $0xFFFFFFF8, v1  }
0xcc: {  	v1 =	vand.u32 $0x7, v1;
	v0 =	vadd.s32 v0, v43  }
0xcd: {  	v0 =	vor.u32 v1, v0;
	_ =	sdelay $0x4  }
0xce: {  	v0 =	vld.idx.msk [tilespmem:v0+s12+$0x0], $0xffff;
	_ =	sdelay $0x4  }
0xcf: {  	[tilespmem:s18+$0x50] =	vst v0  }
0xd0: {  	v0 =	vld [tilespmem:$0x320]  }
0xd1: {  	v44 =	vld [tilespmem:$0x360];
	_ =	sdelay $0x4  }
0xd2: {  	v1 =	vadd.s32 s30, v44;
	v0 =	vmul.u32 $0x180, v0  }
0xd3: {  	v45 =	vand.u32 $0xFFFFFFF8, v1  }
0xd4: {  	v1 =	vand.u32 $0x7, v1;
	v0 =	vadd.s32 v0, v45  }
0xd5: {  	v0 =	vor.u32 v1, v0;
	_ =	sdelay $0x4  }
0xd6: {  	v0 =	vld.idx.msk [tilespmem:v0+s12+$0x0], $0xffff;
	_ =	sdelay $0x4  }
0xd7: {  	[tilespmem:s18+$0x60] =	vst v0  }
0xd8: {  	v0 =	vld [tilespmem:$0x330]  }
0xd9: {  	v46 =	vld [tilespmem:$0x370];
	_ =	sdelay $0x4  }
0xda: {  	v1 =	vadd.s32 s30, v46;
	v0 =	vmul.u32 $0x180, v0  }
0xdb: {  	v47 =	vand.u32 $0xFFFFFFF8, v1  }
0xdc: {  	v1 =	vand.u32 $0x7, v1;
	v0 =	vadd.s32 v0, v47  }
0xdd: {  	v0 =	vor.u32 v1, v0;
	_ =	sdelay $0x4  }
0xde: {  	v0 =	vld.idx.msk [tilespmem:v0+s12+$0x0], $0xffff;
	_ =	sdelay $0x4  }
0xdf: {  	[tilespmem:s18+$0x70] =	vst v0  }
0xe0: {  	v0 =	vld [tilespmem:$0x300]  }
0xe1: {  	v48 =	vld [tilespmem:$0x340];
	_ =	sdelay $0x3  }
0xe2: {  	s31 =	sadd.s32 $0xFFFFFFFC, s17  }
0xe3: {  	v49 =	vadd.s32 s31, v48;
	v0 =	vmul.u32 $0x180, v0  }
0xe4: {  	v2 =	vand.u32 $0xFFFFFFF8, v49  }
0xe5: {  	v1 =	vand.u32 $0x7, v48;
	v0 =	vadd.s32 v0, v2  }
0xe6: {  	v0 =	vor.u32 v1, v0;
	_ =	sdelay $0x4  }
0xe7: {  	v0 =	vld.idx.msk [tilespmem:v0+s12+$0x0], $0xffff;
	_ =	sdelay $0x4  }
0xe8: {  	[tilespmem:s18+$0x80] =	vst v0  }
0xe9: {  	v0 =	vld [tilespmem:$0x310]  }
0xea: {  	v50 =	vld [tilespmem:$0x350];
	_ =	sdelay $0x4  }
0xeb: {  	v51 =	vadd.s32 s31, v50;
	v0 =	vmul.u32 $0x180, v0  }
0xec: {  	v2 =	vand.u32 $0xFFFFFFF8, v51  }
0xed: {  	v1 =	vand.u32 $0x7, v50;
	v0 =	vadd.s32 v0, v2  }
0xee: {  	v0 =	vor.u32 v1, v0;
	_ =	sdelay $0x4  }
0xef: {  	v0 =	vld.idx.msk [tilespmem:v0+s12+$0x0], $0xffff;
	_ =	sdelay $0x4  }
0xf0: {  	[tilespmem:s18+$0x90] =	vst v0  }
0xf1: {  	v0 =	vld [tilespmem:$0x320]  }
0xf2: {  	v52 =	vld [tilespmem:$0x360];
	_ =	sdelay $0x4  }
0xf3: {  	v53 =	vadd.s32 s31, v52;
	v0 =	vmul.u32 $0x180, v0  }
0xf4: {  	v2 =	vand.u32 $0xFFFFFFF8, v53  }
0xf5: {  	v1 =	vand.u32 $0x7, v52;
	v0 =	vadd.s32 v0, v2  }
0xf6: {  	v0 =	vor.u32 v1, v0;
	_ =	sdelay $0x4  }
0xf7: {  	v0 =	vld.idx.msk [tilespmem:v0+s12+$0x0], $0xffff;
	_ =	sdelay $0x4  }
0xf8: {  	[tilespmem:s18+$0xA0] =	vst v0  }
0xf9: {  	v0 =	vld [tilespmem:$0x330]  }
0xfa: {  	v54 =	vld [tilespmem:$0x370];
	_ =	sdelay $0x4  }
0xfb: {  	v55 =	vadd.s32 s31, v54;
	v0 =	vmul.u32 $0x180, v0  }
0xfc: {  	v2 =	vand.u32 $0xFFFFFFF8, v55  }
0xfd: {  	v1 =	vand.u32 $0x7, v54;
	v0 =	vadd.s32 v0, v2  }
0xfe: {  	v0 =	vor.u32 v1, v0;
	_ =	sdelay $0x4  }
0xff: {  	v0 =	vld.idx.msk [tilespmem:v0+s12+$0x0], $0xffff;
	_ =	sdelay $0x4  }
0x100: {  	[tilespmem:s18+$0xB0] =	vst v0  }
0x101: {  	v0 =	vld [tilespmem:$0x300]  }
0x102: {  	v56 =	vld [tilespmem:$0x340];
	_ =	sdelay $0x4  }
0x103: {  	v1 =	vadd.s32 s17, v56;
	v0 =	vmul.u32 $0x180, v0  }
0x104: {  	v57 =	vand.u32 $0xFFFFFFF8, v1  }
0x105: {  	v1 =	vand.u32 $0x7, v1;
	v0 =	vadd.s32 v0, v57  }
0x106: {  	v0 =	vor.u32 v1, v0;
	_ =	sdelay $0x4  }
0x107: {  	v0 =	vld.idx.msk [tilespmem:v0+s12+$0x0], $0xffff;
	_ =	sdelay $0x4  }
0x108: {  	[tilespmem:s18+$0xC0] =	vst v0  }
0x109: {  	v0 =	vld [tilespmem:$0x310]  }
0x10a: {  	v58 =	vld [tilespmem:$0x350];
	_ =	sdelay $0x4  }
0x10b: {  	v1 =	vadd.s32 s17, v58;
	v0 =	vmul.u32 $0x180, v0  }
0x10c: {  	v59 =	vand.u32 $0xFFFFFFF8, v1  }
0x10d: {  	v1 =	vand.u32 $0x7, v1;
	v0 =	vadd.s32 v0, v59  }
0x10e: {  	v0 =	vor.u32 v1, v0;
	_ =	sdelay $0x4  }
0x10f: {  	v0 =	vld.idx.msk [tilespmem:v0+s12+$0x0], $0xffff;
	_ =	sdelay $0x4  }
0x110: {  	[tilespmem:s18+$0xD0] =	vst v0  }
0x111: {  	v0 =	vld [tilespmem:$0x320]  }
0x112: {  	v60 =	vld [tilespmem:$0x360];
	_ =	sdelay $0x4  }
0x113: {  	v1 =	vadd.s32 s17, v60;
	v0 =	vmul.u32 $0x180, v0  }
0x114: {  	v61 =	vand.u32 $0xFFFFFFF8, v1  }
0x115: {  	v1 =	vand.u32 $0x7, v1;
	v0 =	vadd.s32 v0, v61  }
0x116: {  	v0 =	vor.u32 v1, v0;
	_ =	sdelay $0x4  }
0x117: {  	v0 =	vld.idx.msk [tilespmem:v0+s12+$0x0], $0xffff;
	_ =	sdelay $0x4  }
0x118: {  	[tilespmem:s18+$0xE0] =	vst v0  }
0x119: {  	v0 =	vld [tilespmem:$0x330]  }
0x11a: {  	v62 =	vld [tilespmem:$0x370];
	_ =	sdelay $0x4  }
0x11b: {  	v1 =	vadd.s32 s17, v62;
	v0 =	vmul.u32 $0x180, v0  }
0x11c: {  	v63 =	vand.u32 $0xFFFFFFF8, v1  }
0x11d: {  	v1 =	vand.u32 $0x7, v1;
	v0 =	vadd.s32 v0, v63  }
0x11e: {  	v0 =	vor.u32 v1, v0;
	_ =	sdelay $0x4  }
0x11f: {  	p0 =	sne.s32 s17, $0x17C;
	v0 =	vld.idx.msk [tilespmem:v0+s12+$0x0], $0xffff  }
.Ltmp0:
0x120: {  	_ = 	snop;
	(pc) =	sbr.rel @p0 .LBB2_3-.Ltmp0, $2  }
0x121: {  	_ =	sdelay $0x2  }
0x122: {  	s17 =	sadd.s32 $0x20, s17;
	[tilespmem:s18+$0xF0] =	vst v0;
	s18 =	sadd.s32 $0x200, s18  }
0x123: {  	s17 =	sadd.s32 s3, s16  }
0x124: {  	s16 =	sadd.s32 $0x1, s16;
	s17 =	smul.u32 $0x300, s17  }
0x125: {  	p0 =	sne.s32 s16, $0x20  }
.Ltmp1:
0x126: {  	s17 =	sadd.s32 s6, s17;
	(pc) =	sbr.rel @p0 .LBB2_2-.Ltmp1, $4  }
0x127: {  	[hbm4b:s17+s2] =	stream.linear.scatter [tilespmem:s14], [sflag:$0x2], $0x1800, $0x38;
	[tilespmem:$0x3E00] =	vst v63  }
0x128: {  	_ =	swait.ge [sflag:s9], $0x1800  }
0x129: {  	[sflag:s9] =	ssyncset.done $0x0  }
0x12a: {  	[sflag:s9] =	ssyncadd.s32 $0xFFFFE800  }
0x12b: {  	s15 =	sadd.s32 $0x1, s15  }
0x12c: {  	p0 =	sne.s32 s15, s8  }
.Ltmp2:
0x12d: {  	_ = 	snop;
	(pc) =	sbr.rel @p0 .LBB2_1-.Ltmp2, $1  }
0x12e: {  	_ =	sdelay $0x3  }
0x12f: {  	_ =	sfence.sel $0x180000  }
0x130: {  	[bflag:$0x0] =	sbarrier.arrive $0xFFFF  }
0x131: {  	p0 =	sne.s32 s1, $0x0;
	_ =	strace $0x9000004A  }
0x132: {  	s0 =	sadd.s32 @!p0 $0x100000, s0;
	[bflag:$0x2] =	sbarrier.arrive $0xFFFF  }
0x133: {  	[sflag:s0] =	ssyncadd.tile.s32 @!p0 $0x1;
	_ =	shalt  }
.Lfunc_end2:
_tile_overlayer_lowered:
.L_overlay_start_2:
0x134: {  	(tag) =	ssettag $0x2  }
0x135: {  	s0 =	rddreg [dreg:$0x0];
	s2 =	stileid.u32  }
0x136: {  	s1 =	rddreg [dreg:$0x1];
	p0 =	sne.s32 s2, $0x0  }
0x137: {  	s3 =	rddreg [dreg:$0x2];
	[bflag:$0x3] =	sbarrier.arrive $0xFFFF;
	s2 =	simm.s32 @!p0 $0x1C02  }
0x138: {  	[timem:s3], [sflag:s2] =	dma.local @!p0 [hbm:s0], s1  }
0x139: {  	s0 =	simm.s32 @!p0 $0x2  }
0x13a: {  	_ =	swait.ge @!p0 [sflag:s0], s1  }
0x13b: {  	s1 =	ssub.s32 @!p0 $0x0, s1;
	[sflag:s0] =	ssyncset.done @!p0 $0x0  }
0x13c: {  	[sflag:s0] =	ssyncadd.s32 @!p0 s1  }
0x13d: {  	[bflag:$0x3] =	sbarrier.arrive $0xFFFF  }
0x13e: {  	_ =	shalt  }

// kernel: sparse-core-data-format-call.cloned.1.call-start
scs
called_computation_lowered:
.L_overlay_start_0:
0x0: {  	s1 =	sld [smem:$0x3FD9]  }
0x1: {  	s2 =	sld [smem:$0x3FFE];
	_ =	sdelay $0x1  }
0x2: {  	s3 =	srdreg.scid  }
0x3: {  	s0 =	sand.u32 $0x1, s3  }
0x4: {  	s17 =	sshll.u32 s0, $0xA;
	s1 =	sadd.s32 s2, s1  }
0x5: {  	s1 =	sadd.s32 s1, s17  }
0x6: {  	[smem:$0x3FC6] =	sst s1  }
0x7: {  	_ = 	snop  }
0x8: {  	(tm) =	ssettm $0x1  }
0x9: {  	s18 =	sld [smem:$0x3FFB];
	_ =	sdelay $0x3  }
0xa: {  	_ =	strace s18  }
0xb: {  	s1 =	sld [smem:$0x3FFC];
	_ =	sdelay $0x3  }
0xc: {  	_ =	strace s1  }
0xd: {  	s1 =	sld [smem:$0x3FFD];
	_ =	sdelay $0x3  }
0xe: {  	_ =	strace s1  }
0xf: {  	_ =	strace $0x8FFFFFFF  }
0x10: {  	s19 =	sld [smem:$0x3FDB];
	_ =	sdelay $0x1  }
0x11: {  	s20 =	simm.s32 $_scs_section_size  }
0x12: {  	s4 =	simm.s32 $_size__tile_overlayer_lowered;
	s5 =	simm.s32 $_tile_overlayer_lowered  }
0x13: {  	s23 =	simm.s32 $0x1BFF;
	s22 =	sshll.u32 s5, $0x1;
	s1 =	sadd.s32 s20, s19  }
0x14: {  	s6 =	simm.s32 $0x0;
	s21 =	sshll.u32 s4, $0x1;
	s4 =	sadd.s32 s22, s1  }
0x15: {  	[timem:s6], [sflag:s23] =	dma.local [hbm:s4], s21  }
0x16: {  	_ =	swait.ge [sflag:s23], s21  }
0x17: {  	s2 =	ssub.s32 $0x0, s21;
	[sflag:s23] =	ssyncset.done $0x0  }
0x18: {  	[sflag:s23] =	ssyncadd.s32 s2;
	_ =	sdelay $0x1  }
0x19: {  	s24 =	simm.s32 $0x1B8B  }
0x1a: {  	_ =	swait.ge [sflag:s24], $0x1  }
0x1b: {  	[sflag:s24] =	ssyncset.done $0x0  }
0x1c: {  	s26 =	simm.s32 $0x1B8E;
	s25 =	sld [smem:$0x3FFE];
	[sflag:s24] =	ssyncadd.s32 $0xFFFFFFFF  }
0x1d: {  	s27 =	simm.s32 $execute0_lowered;
	[smem:$0x3FD2] =	sst s26  }
0x1e: {  	s4 =	sshll.u32 s27, $0x1;
	_ =	strace $0x80000046;
	[dreg:$0x1] =	wrdreg $0xFFFFFFFF  }
0x1f: {  	s28 =	simm.s32 $_size_execute0_lowered;
	s1 =	sadd.s32 s1, s4;
	[dreg:$0x0] =	wrdreg $0x0  }
0x20: {  	s4 =	sshll.u32 s28, $0x1;
	[dreg:$0x2] =	wrdreg s1  }
0x21: {  	[dreg:$0x3] =	wrdreg s4  }
0x22: {  	[dreg:$0x4] =	wrdreg $0xC0  }
0x23: {  	_ =	task [dreg:s6], $0x5FFFF  }
0x24: {  	[dreg:$0x1] =	wrdreg $0xFFFFFFFF  }
0x25: {  	[dreg:$0x0] =	wrdreg $0x60  }
0x26: {  	[dreg:$0x2] =	wrdreg s25  }
0x27: {  	[dreg:$0x3] =	wrdreg $0x9  }
0x28: {  	_ =	task.clear_ibuf [dreg:s6], $0x4FFFF;
	_ =	strace $0x90000046  }
0x29: {  	s29 =	simm.s32 $0x9;
	_ =	strace $0x80000048  }
0x2a: {  	_ =	swait.ge [sflag:s29], $0x1  }
0x2b: {  	[sflag:s29] =	ssyncadd.s32 $0xFFFFFFFF  }
0x2c: {  	_ =	strace $0x90000048  }
0x2d: {  	_ =	sfence  }
0x2e: {  	s30 =	sld [smem:$0x0];
	_ =	sdelay $0x2  }
0x2f: {  	s31 =	sshll.u32 s3, $0xD;
	s3 =	sshrl.u32 s3, $0x2  }
0x30: {  	s2 =	sand.u32 $0x4000, s31;
	s1 =	sadd.s32 s3, s30  }
0x31: {  	s0 =	sor.u32 s2, s0;
	s1 =	sshll.u32 s1, $0x11  }
0x32: {  	s0 =	sor.u32 s1, s0  }
0x33: {  	s0 =	sadd.s32 $0x8F2B, s0  }
0x34: {  	[sflag:s0] =	ssyncadd.remote.s32 $0x1  }
0x35: {  	_ =	sfence.sel $0xFFFF  }
0x36: {  	[dreg:$0x0] =	wrdreg $0xFFFFFFFF;
	(pc) =	sbr.abs _section_cstart, $3  }
0x37: {  	[dreg:$0x1] =	wrdreg $0xFFFFFFFF  }
0x38: {  	_ =	task.clear_ibuf [dreg:s6], $0x2FFFF;
	_ =	strace $0x9FFFFFFF  }
0x39: {  	(tm) =	ssettm $0x7FFFFFFF  }
tec
execute0_lowered:
.L_overlay_start_1:
0x0: {  	(tag) =	ssettag $0x1  }
0x1: {  	s0 =	srdreg.scid  }
0x2: {  	s1 =	sshll.u32 s0, $0x4  }
0x3: {  	s0 =	stileid.u32;
	s1 =	sand.u32 $0x10, s1  }
0x4: {  	s1 =	sor.u32 s0, s1  }
0x5: {  	s6 =	rddreg [dreg:$0x0];
	s7 =	simm.s32 $0x2;
	s2 =	sshll.u32 s1, $0x7  }
0x6: {  	s13 =	simm.s32 $0x0;
	s8 =	simm.s32 $0xC00;
	s1 =	ssub.s32 $0x20000, s2  }
0x7: {  	s12 =	simm.s32 $0x0;
	s10 =	simm.s32 $0x0;
	s3 =	sand.u32 $0xF80, s1  }
0x8: {  	s11 =	simm.s32 $0x0;
	p0 =	sne.s32 s3, $0x0;
	s3 =	simm.s32 $0x1  }
.Ltmp0:
0x9: {  	s4 =	sshrl.u32 s1, $0xC;
	s3 =	simm.s32 @!p0 $0x0;
	(pc) =	sbr.rel .LBB1_1-.Ltmp0, $4  }
0xa: {  	s5 =	sadd.s32 $0x1200, s6;
	s1 =	rddreg [dreg:$0x1];
	s4 =	sadd.s32 s3, s4  }
0xb: {  	_ =	strace $0x80000047;
	s3 =	simm.s32 $0x1;
	s4 =	smul.u32 $0x3, s4  }
0xc: {  	s6 =	sadd.s32 $0x601200, s6;
	s9 =	smov.u32 s2;
	[sflag:s3] =	ssyncpa.u1 $0x0  }
0xd: {  	p0 =	por $0x0, $0x0;
	[sflag:s7] =	ssyncpa.u1 $0x0;
	s7 =	sadd.s32 $0x1, s4  }
.LBB1_4:
0xe: {  	s19 =	sshrl.u32 s13, $0x3  }
0xf: {  	s20 =	sshll.u32 s12, $0x3;
	s19 =	smul.u32 $0xC00, s19  }
0x10: {  	s29 =	sshll.u32 s13, $0x7;
	s20 =	sand.u32 $0xFFFFFC00, s20  }
0x11: {  	v5 =	vld [tilespmem:s17+$0xFFFFFFD0];
	[tilespmem:s16+$0x2040 ss:$0x81] =	vst.msk $0xffff, v4;
	s13 =	sand.u32 $0x380, s29;
	s19 =	sadd.s32 s20, s19  }
0x12: {  	v58 =	vld [tilespmem:s17+$0xFFFFFFE0];
	[tilespmem:s16+$0x2850 ss:$0x81] =	vst.msk $0xffff, v3;
	s30 =	sand.u32 $0x7F, s12;
	s13 =	sor.u32 s13, s19  }
0x13: {  	s18 =	sshra.s32 s18, $0x2;
	v59 =	vld [tilespmem:s17+$0xFFFFFFF0];
	[tilespmem:s16+$0x3060 ss:$0x81] =	vst.msk $0xffff, v2;
	s12 =	sor.u32 s30, s13  }
0x14: {  	v60 =	vld [tilespmem:s17+$0x0];
	[tilespmem:s16+$0x0 ss:$0x81] =	vst.msk $0xffff, v0;
	s15 =	sadd.s32 s18, s15;
	s31 =	smulhi.u32 $0xAAAAAAAB, s12  }
0x15: {  	v61 =	vld [tilespmem:s17+$0x10];
	[tilespmem:s15+$0x3870 ss:$0x81] =	vst.msk $0xffff, v1  }
0x16: {  	v62 =	vld [tilespmem:s17+$0x20];
	[tilespmem:s15+$0x810 ss:$0x81] =	vst.msk $0xffff, v5;
	s13 =	smulhi.u32 $0xAAAAAAAB, s13;
	s16 =	sshrl.u32 s31, $0x8  }
0x17: {  	v63 =	vld [tilespmem:s17+$0xFFFFFFC0];
	[tilespmem:s15+$0x1020 ss:$0x81] =	vst.msk $0xffff, v58;
	s16 =	smul.u32 $0x180, s16  }
0x18: {  	[tilespmem:s15+$0x1830 ss:$0x81] =	vst.msk $0xffff, v59;
	s13 =	sshrl.u32 s13, $0x8  }
0x19: {  	[tilespmem:s15+$0x2040 ss:$0x81] =	vst.msk $0xffff, v60;
	s13 =	sand.u32 $0x1FFFF, s13;
	s12 =	ssub.s32 s12, s16  }
0x1a: {  	[tilespmem:s15+$0x2850 ss:$0x81] =	vst.msk $0xffff, v61;
	s13 =	smul.u32 $0x30, s13;
	s16 =	sshrl.u32 s12, $0x3;
	s12 =	sand.u32 $0x7, s12  }
0x1b: {  	[tilespmem:s15+$0x3060 ss:$0x81] =	vst.msk $0xffff, v62;
	s16 =	sadd.s32 s6, s16;
	s12 =	sshll.u32 s12, $0x12  }
0x1c: {  	[tilespmem:s15+$0x0 ss:$0x81] =	vst.msk $0xffff, v63;
	s13 =	sadd.s32 s13, s16;
	s12 =	sor.u32 $0x400, s12  }
0x1d: {  	[hbm4b:s13+s12] =	stream.strided.scatter [tilespmem:s14], [sflag:$0x2], $0x4000, s8, s12, $0x20;
	[tilespmem:$0x10100] =	vst v63  }
.LBB1_5:
0x1e: {  	s14 =	sadd.s32 $0x1000, s9  }
0x1f: {  	s12 =	sadd.s32 $0x80, s10;
	s16 =	smov.u32 s10;
	p2 =	sgt.s32 s14, $0x1FFFF  }
0x20: {  	s16 =	smov.u32 @p2 s12  }
0x21: {  	s14 =	smov.u32 @p2 s2;
	p2 =	sgt.s32 s16, $0x17F  }
0x22: {  	s16 =	simm.s32 @p2 $0x0;
	p2 =	sne.s32 s11, s7  }
.Ltmp1:
0x23: {  	p1 =	slt.u32 s11, $0x2;
	(pc) =	sbr.rel @!p2 .LBB1_6-.Ltmp1, $4  }
0x24: {  	s15 =	simm.s32 @!p1 $0x2  }
0x25: {  	s13 =	smov.u32 s9;
	p0 =	por !p0, !p0;
	_ =	swait.ge @!p1 [sflag:s15], $0x4000  }
0x26: {  	s12 =	smov.u32 s10;
	[sflag:s15] =	ssyncset.done @!p1 $0x0;
	s9 =	smov.u32 s14  }
0x27: {  	s11 =	sadd.s32 $0x1, s11;
	[sflag:s15] =	ssyncadd.s32 @!p1 $0xFFFFC000;
	s10 =	smov.u32 s16  }
.LBB1_1:
0x28: {  	p1 =	sge.u32 s11, s4  }
0x29: {  	s14 =	sshll.u32 @!p1 s10, $0x11  }
0x2a: {  	s15 =	sshll.u32 @!p1 s9, $0x3;
	s14 =	sand.u32 @!p1 $0xFFF00000, s14  }
0x2b: {  	s14 =	sadd.s32 @!p1 s14, s15  }
0x2c: {  	s14 =	sshrl.u32 @!p1 s14, $0x11  }
0x2d: {  	s16 =	smul.u32 @!p1 $0x2AAB, s14  }
0x2e: {  	s31 =	sadd.s32 $0xFFFFFFFF, s11  }
0x2f: {  	s17 =	sxor.u32 @!p1 $0xFFFFFFFF, s11;
	s18 =	sshll.u32 @!p1 s10, $0x7;
	s16 =	sshrl.u32 @!p1 s16, $0x16  }
0x30: {  	s19 =	sand.u32 @!p1 $0x78, s9;
	s18 =	sand.u32 @!p1 $0x380, s18;
	s16 =	smul.u32 @!p1 $0x180, s16  }
0x31: {  	s17 =	sshll.u32 @!p1 s17, $0xE;
	s18 =	sor.u32 @!p1 s18, s19;
	s15 =	sand.u32 @!p1 $0x1FC00, s15  }
0x32: {  	s17 =	sand.u32 @!p1 $0x4000, s17;
	s15 =	sor.u32 @!p1 s15, s18;
	s14 =	ssub.s32 @!p1 s14, s16  }
0x33: {  	s15 =	sshrl.u32 @!p1 s15, $0x3;
	s16 =	sand.u32 @!p1 $0x7, s9;
	s14 =	sand.u32 @!p1 $0xFFFF, s14  }
0x34: {  	s15 =	sadd.s32 @!p1 s5, s15;
	s16 =	sshll.u32 @!p1 s16, $0x12;
	s14 =	sshll.u32 @!p1 s14, $0xE  }
0x35: {  	s14 =	sadd.s32 @!p1 s14, s15;
	s15 =	sor.u32 @!p1 $0x400, s16;
	s16 =	simm.s32 @!p1 $0x100000  }
0x36: {  	[tilespmem:s17], [sflag:$0x1] =	stream.strided.gather @!p1 [hbm4b:s14+s15], $0x4000, s16, s15, $0x38;
	[tilespmem:$0x10100] =	vst v63  }
0x37: {  	p1 =	sge.u32 s31, s4  }
.Ltmp2:
0x38: {  	_ = 	snop;
	(pc) =	sbr.rel @p1 .LBB1_5-.Ltmp2, $1  }
0x39: {  	_ =	sdelay $0x3  }
0x3a: {  	s14 =	simm.s32 $0x1  }
0x3b: {  	_ =	swait.ge [sflag:s3], $0x4000;
	s14 =	simm.s32 @!p0 $0x0  }
0x3c: {  	[sflag:s3] =	ssyncset.done $0x0;
	s15 =	sshll.u32 s14, $0xE  }
0x3d: {  	[sflag:s3] =	ssyncadd.s32 $0xFFFFC000;
	s17 =	sor.u32 $0x40, s15  }
0x3e: {  	s14 =	smul.u32 $0x10200, s14;
	v0 =	vld [tilespmem:s17+$0x30]  }
0x3f: {  	v1 =	vld [tilespmem:s17+$0xFFFFFFD0]  }
0x40: {  	s14 =	sshrl.u32 s14, $0x2;
	v5 =	vld [tilespmem:s17+$0xFFFFFFE0]  }
0x41: {  	v6 =	vld [tilespmem:s17+$0xFFFFFFF0];
	s15 =	sor.u32 $0x8000, s14  }
0x42: {  	s31 =	sand.u32 $0x1, s11;
	v4 =	vld [tilespmem:s17+$0x0];
	s16 =	sadd.s32 $0x0, s15  }
0x43: {  	v3 =	vld [tilespmem:s17+$0x10];
	s14 =	smul.u32 $0x10200, s31;
	[tilespmem:s16+$0x3870 ss:$0x81] =	vst.msk $0xffff, v0  }
0x44: {  	v2 =	vld [tilespmem:s17+$0x20];
	[tilespmem:s16+$0x810 ss:$0x81] =	vst.msk $0xffff, v1  }
0x45: {  	s14 =	sshrl.u32 s14, $0x2;
	v0 =	vld [tilespmem:s17+$0xFFFFFFC0];
	[tilespmem:s16+$0x1020 ss:$0x81] =	vst.msk $0xffff, v5;
	s17 =	sadd.s32 $0x80, s17  }
0x46: {  	s18 =	simm.s32 $0x4;
	s19 =	simm.s32 $0x8;
	s14 =	sor.u32 $0x8000, s14;
	[tilespmem:s16+$0x1830 ss:$0x81] =	vst.msk $0xffff, v6;
	v1 =	vld [tilespmem:s17+$0x30]  }
.LBB1_3:
0x47: {  	p1 =	sne.s32 s19, $0x1FC;
	v5 =	vld [tilespmem:s17+$0xFFFFFFD0];
	[tilespmem:s16+$0x2040 ss:$0x81] =	vst.msk $0xffff, v4  }
0x48: {  	v6 =	vld [tilespmem:s17+$0xFFFFFFE0];
	[tilespmem:s16+$0x2850 ss:$0x81] =	vst.msk $0xffff, v3  }
0x49: {  	s20 =	sshra.s32 s18, $0x2;
	s18 =	smov.u32 s19;
	v7 =	vld [tilespmem:s17+$0xFFFFFFF0];
	[tilespmem:s16+$0x3060 ss:$0x81] =	vst.msk $0xffff, v2  }
.Ltmp3:
0x4a: {  	v4 =	vld [tilespmem:s17+$0x0];
	[tilespmem:s16+$0x0 ss:$0x81] =	vst.msk $0xffff, v0;
	s16 =	sadd.s32 s20, s15;
	(pc) =	sbr.rel @p1 .LBB1_3-.Ltmp3, $4  }
0x4b: {  	v3 =	vld [tilespmem:s17+$0x10];
	[tilespmem:s16+$0x3870 ss:$0x81] =	vst.msk $0xffff, v1  }
0x4c: {  	[tilespmem:s16+$0x810 ss:$0x81] =	vst.msk $0xffff, v5;
	v2 =	vld [tilespmem:s17+$0x20]  }
0x4d: {  	v0 =	vld [tilespmem:s17+$0xFFFFFFC0];
	[tilespmem:s16+$0x1020 ss:$0x81] =	vst.msk $0xffff, v6;
	s17 =	sadd.s32 $0x80, s17  }
0x4e: {  	s19 =	sadd.s32 $0x4, s19;
	v1 =	vld [tilespmem:s17+$0x30];
	[tilespmem:s16+$0x1830 ss:$0x81] =	vst.msk $0xffff, v7  }
.Ltmp4:
0x4f: {  	_ = 	snop;
	(pc) =	sbr.rel .LBB1_4-.Ltmp4, $1  }
0x50: {  	_ =	sdelay $0x3  }
.LBB1_6:
0x51: {  	_ =	sfence.sel $0x180000  }
0x52: {  	s2 =	simm.s32 $0x1;
	[bflag:$0x0] =	sbarrier.arrive $0xFFFF  }
0x53: {  	s31 =	simm.s32 $0x2;
	[sflag:s2] =	ssyncpa.u1 $0x1  }
0x54: {  	[sflag:s31] =	ssyncpa.u1 $0x1  }
0x55: {  	p0 =	sne.s32 s0, $0x0;
	_ =	strace $0x90000047  }
0x56: {  	s0 =	sadd.s32 @!p0 $0x100000, s1;
	[bflag:$0x2] =	sbarrier.arrive $0xFFFF  }
0x57: {  	[sflag:s0] =	ssyncadd.tile.s32 @!p0 $0x1;
	_ =	shalt  }
.Lfunc_end1:
_tile_overlayer_lowered:
.L_overlay_start_2:
0x58: {  	(tag) =	ssettag $0x2  }
0x59: {  	s0 =	rddreg [dreg:$0x0];
	s2 =	stileid.u32  }
0x5a: {  	s1 =	rddreg [dreg:$0x1];
	p0 =	sne.s32 s2, $0x0  }
0x5b: {  	s3 =	rddreg [dreg:$0x2];
	[bflag:$0x3] =	sbarrier.arrive $0xFFFF;
	s2 =	simm.s32 @!p0 $0x1C01  }
0x5c: {  	[timem:s3], [sflag:s2] =	dma.local @!p0 [hbm:s0], s1  }
0x5d: {  	s0 =	simm.s32 @!p0 $0x1  }
0x5e: {  	_ =	swait.ge @!p0 [sflag:s0], s1  }
0x5f: {  	s1 =	ssub.s32 @!p0 $0x0, s1;
	[sflag:s0] =	ssyncset.done @!p0 $0x0  }
0x60: {  	[sflag:s0] =	ssyncadd.s32 @!p0 s1  }
0x61: {  	[bflag:$0x3] =	sbarrier.arrive $0xFFFF  }
0x62: {  	_ =	shalt  }

</sc_bundles>
